<compile_context>
chip_gen: v7x
topology: tpu7x:2x2x1
jax: 0.10.2.dev20260603
libtpu: 0.0.44.dev20260713+nightly
codegen_flags: <defaults>
</compile_context>

<pallas_src>
import functools

import jax
import jax.numpy as jnp
from jax.experimental import pallas as pl

_IN_C = 96
_OUT_C = 96
_KS = 3
_AREA = _KS * _KS
_CLUSTERS = 32
_MAX_ITER = 20
_TOL = 0.005


def _mlp3(x, W1, b1, W2, b2, W3, b3):
    h = jax.nn.relu(x @ W1 + b1)
    h = jax.nn.relu(h @ W2 + b2)
    return h @ W3 + b3


def _segsum_kernel(idx_ref, f_ref, sum_ref, cnt_ref):
    t = pl.program_id(1)
    tpn = f_ref.shape[1]
    onehot = (idx_ref[0] == jax.lax.broadcasted_iota(jnp.int32, (tpn, _CLUSTERS), 1)).astype(jnp.float32)
    psum = jax.lax.dot_general(onehot, f_ref[0], (((0,), (0,)), ((), ())),
                               preferred_element_type=jnp.float32)
    pcnt = jnp.sum(onehot, axis=0, keepdims=True)

    @pl.when(t == 0)
    def _init():
        sum_ref[0] = psum
        cnt_ref[0] = pcnt

    @pl.when(t != 0)
    def _acc():
        sum_ref[0] += psum
        cnt_ref[0] += pcnt


def _segment_mean_sums(features, assign):
    B, N, C = features.shape
    tpn = 1024
    while N % tpn:
        tpn //= 2
    sums, counts = pl.pallas_call(
        _segsum_kernel,
        grid=(B, N // tpn),
        in_specs=[
            pl.BlockSpec((1, tpn, 1), lambda b, t: (b, t, 0)),
            pl.BlockSpec((1, tpn, C), lambda b, t: (b, t, 0)),
        ],
        out_specs=[
            pl.BlockSpec((1, _CLUSTERS, C), lambda b, t: (b, 0, 0)),
            pl.BlockSpec((1, 1, _CLUSTERS), lambda b, t: (b, 0, 0)),
        ],
        out_shape=[
            jax.ShapeDtypeStruct((B, _CLUSTERS, C), jnp.float32),
            jax.ShapeDtypeStruct((B, 1, _CLUSTERS), jnp.float32),
        ],
    )(assign.reshape(B, N, 1), features)
    return sums, counts.reshape(B, _CLUSTERS)


def _kmeans(features, key):
    B, N, F = features.shape
    cent0 = jnp.stack([
        features[b][jax.random.permutation(jax.random.fold_in(key, b), N)[:_CLUSTERS]]
        for b in range(B)
    ])
    assign0 = jnp.zeros((B, N), dtype=jnp.int32)
    done0 = jnp.zeros((B,), dtype=bool)
    fsq = [jnp.sum(features[b] ** 2, axis=1, keepdims=True) for b in range(B)]

    def cond_fn(carry):
        i, cent, assign, done = carry
        return jnp.logical_and(i < _MAX_ITER, jnp.logical_not(jnp.all(done)))

    def body_fn(carry):
        i, cent, assign, done = carry
        d2 = jnp.stack([
            fsq[b]
            + jnp.sum(cent[b] ** 2, axis=1)[None, :]
            - 2.0 * (features[b] @ cent[b].T)
            for b in range(B)
        ])
        new_assign = jnp.argmin(d2, axis=2).astype(jnp.int32)
        sums, counts = _segment_mean_sums(features, new_assign)
        new_cent = jnp.where((counts > 0)[:, :, None], sums / jnp.maximum(counts, 1.0)[:, :, None], cent)
        shift = jnp.sum(jnp.linalg.norm(new_cent - cent, axis=2), axis=1)
        newly_done = shift < _TOL * N
        assign = jnp.where(done[:, None], assign, new_assign)
        cent = jnp.where(done[:, None, None], cent, new_cent)
        done = jnp.logical_or(done, newly_done)
        return (i + 1, cent, assign, done)

    _, _, assign, _ = jax.lax.while_loop(
        cond_fn, body_fn, (jnp.int32(0), cent0, assign0, done0)
    )
    return assign


def _rows_per_tile(H, Wp):
    best = 1
    for r in range(1, H + 1):
        if H % r == 0 and (r * Wp) % 128 == 0 and r * Wp <= 2048:
            best = r
    return best


def _patch_slabs(xu_ref, xc_ref, xd_ref, Wp, rows, tp):
    slabs = []
    for x_ref in (xu_ref, xc_ref, xd_ref):
        s = x_ref[0]
        left = jnp.concatenate([s[:, -1:], s[:, :-1]], axis=1)
        right = jnp.concatenate([s[:, 1:], s[:, :1]], axis=1)
        slabs += [left, s, right]
    return slabs


def _obs_kernel(xu_ref, xc_ref, xd_ref, o_ref, *, Wp, rows, tp):
    slabs = _patch_slabs(xu_ref, xc_ref, xd_ref, Wp, rows, tp)
    s = slabs[0]
    for a in range(1, _AREA):
        s = s + slabs[a]
    o_ref[0] = (s / jnp.float32(_AREA)).T


def _centers_kernel(idx_ref, xu_ref, xc_ref, xd_ref, sum_ref, cnt_ref, *, Wp, rows, tp):
    t = pl.program_id(1)
    slabs = _patch_slabs(xu_ref, xc_ref, xd_ref, Wp, rows, tp)
    p_t = jnp.concatenate(slabs, axis=0)
    onehot = (idx_ref[0] == jax.lax.broadcasted_iota(jnp.int32, (_CLUSTERS, tp), 0)).astype(jnp.float32)
    psum = jax.lax.dot_general(onehot, p_t, (((1,), (1,)), ((), ())),
                               preferred_element_type=jnp.float32)
    pcnt = jnp.sum(onehot, axis=1, keepdims=True)

    @pl.when(t == 0)
    def _init():
        sum_ref[0] = psum
        cnt_ref[0] = pcnt

    @pl.when(t != 0)
    def _acc():
        sum_ref[0] += psum
        cnt_ref[0] += pcnt


def _conv_kernel(idx_ref, xu_ref, xc_ref, xd_ref, w_ref, b_ref, o_ref, *, Wp, rows, tp):
    slabs = _patch_slabs(xu_ref, xc_ref, xd_ref, Wp, rows, tp)
    p_t = jnp.concatenate(slabs, axis=0).astype(jnp.bfloat16)
    idx = idx_ref[0]
    onehot = (idx == jax.lax.broadcasted_iota(jnp.int32, (_CLUSTERS, tp), 0)).astype(jnp.float32)
    bias_p = jnp.dot(b_ref[0], onehot, preferred_element_type=jnp.float32)
    nh = max(1, tp // 1024)
    hw = tp // nh
    outs = []
    for h in range(nh):
        ph = p_t[:, h * hw:(h + 1) * hw]
        idx_h = idx[:, h * hw:(h + 1) * hw]
        acc = jnp.zeros((_OUT_C, hw), jnp.float32)
        for g in range(_CLUSTERS // 4):
            y = jnp.dot(w_ref[0, g], ph, preferred_element_type=jnp.float32)
            for j in range(4):
                k = 4 * g + j
                acc = jnp.where(idx_h == k, y[j * _OUT_C:(j + 1) * _OUT_C], acc)
        outs.append(acc)
    o_ref[0] = jnp.concatenate(outs, axis=1) + bias_p


def kernel(x, base_kernels, kg_W1, kg_b1, kg_W2, kg_b2, kg_W3, kg_b3, bg_W1, bg_b1, bg_W2, bg_b2, bg_W3, bg_b3):
    B, C, H, W = x.shape
    P = H * W
    F = C * _AREA
    Wp = ((W + 1 + 127) // 128) * 128
    rows = _rows_per_tile(H, Wp)
    tp = rows * Wp
    n_tiles = H // rows
    Pp = H * Wp
    grid = (B, n_tiles)

    xpad4 = jnp.pad(x, ((0, 0), (0, 0), (1, 1), (0, Wp - W)))
    x_sh = [xpad4[:, :, 1 + di:1 + di + H, :].reshape(B, C, Pp) for di in (-1, 0, 1)]
    x_spec = pl.BlockSpec((1, C, tp), lambda b, t: (b, 0, t))
    x_specs = [x_spec, x_spec, x_spec]

    obs_pad = pl.pallas_call(
        functools.partial(_obs_kernel, Wp=Wp, rows=rows, tp=tp),
        grid=grid,
        in_specs=x_specs,
        out_specs=pl.BlockSpec((1, tp, C), lambda b, t: (b, t, 0)),
        out_shape=jax.ShapeDtypeStruct((B, Pp, C), jnp.float32),
    )(*x_sh)
    obs = obs_pad.reshape(B, H, Wp, C)[:, :, :W, :].reshape(B, P, C)

    cluster_indices = _kmeans(obs, jax.random.key(42))

    idxp = jnp.pad(cluster_indices.reshape(B, H, W), ((0, 0), (0, 0), (0, Wp - W)),
                   constant_values=-1).reshape(B, 1, Pp)
    idx_spec = pl.BlockSpec((1, 1, tp), lambda b, t: (b, 0, t))

    sums, counts = pl.pallas_call(
        functools.partial(_centers_kernel, Wp=Wp, rows=rows, tp=tp),
        grid=grid,
        in_specs=[idx_spec] + x_specs,
        out_specs=[
            pl.BlockSpec((1, _CLUSTERS, F), lambda b, t: (b, 0, 0)),
            pl.BlockSpec((1, _CLUSTERS, 1), lambda b, t: (b, 0, 0)),
        ],
        out_shape=[
            jax.ShapeDtypeStruct((B, _CLUSTERS, F), jnp.float32),
            jax.ShapeDtypeStruct((B, _CLUSTERS, 1), jnp.float32),
        ],
    )(idxp, *x_sh)
    centers_am = sums / jnp.maximum(counts, 1.0)

    centers = centers_am.reshape(B, _CLUSTERS, _AREA, C).transpose(0, 1, 3, 2).reshape(B, _CLUSTERS, F)

    attn = jax.nn.softmax(_mlp3(centers, kg_W1, kg_b1, kg_W2, kg_b2, kg_W3, kg_b3), axis=-1)
    base_t = base_kernels.reshape(-1, C, _AREA, _OUT_C).transpose(0, 2, 1, 3).reshape(-1, F, _OUT_C)
    kernels_t = jnp.einsum('bkn,ncf->bkcf', attn, base_t.transpose(0, 2, 1)).astype(jnp.bfloat16)
    biases = _mlp3(centers, bg_W1, bg_b1, bg_W2, bg_b2, bg_W3, bg_b3)
    biases_t = biases.transpose(0, 2, 1)

    rows_c = rows
    tpc = rows_c * Wp
    xc_spec = pl.BlockSpec((1, C, tpc), lambda b, t: (b, 0, t))
    idxc_spec = pl.BlockSpec((1, 1, tpc), lambda b, t: (b, 0, t))
    out_pad = pl.pallas_call(
        functools.partial(_conv_kernel, Wp=Wp, rows=rows_c, tp=tpc),
        grid=(B, H // rows_c),
        in_specs=[idxc_spec, xc_spec, xc_spec, xc_spec] + [
            pl.BlockSpec((1, _CLUSTERS // 4, 4 * _OUT_C, F), lambda b, t: (b, 0, 0, 0)),
            pl.BlockSpec((1, _OUT_C, _CLUSTERS), lambda b, t: (b, 0, 0)),
        ],
        out_specs=pl.BlockSpec((1, _OUT_C, tpc), lambda b, t: (b, 0, t)),
        out_shape=jax.ShapeDtypeStruct((B, _OUT_C, Pp), jnp.float32),
    )(idxp, *x_sh, kernels_t.reshape(B, _CLUSTERS // 4, 4 * _OUT_C, F), biases_t)
    out = out_pad.reshape(B, _OUT_C, H, Wp)[:, :, :, :W]

    return (out, cluster_indices)

# --- scband reference (transcript-rebuilt; emitter-appended) ---
"""Pipeline reference for scband-kaconv-61684320305433 (READ-ONLY COPY).

The authoritative reference and input builder live on the scoring server;
editing this copy changes nothing except your own understanding.
"""

import jax, jax.numpy as jnp
import numpy as np

IN_C = 96
OUT_C = 96
KS = 3
AREA = KS * KS
CLUSTERS = 32
HID = 64
NBASE = 32
MAX_ITER = 20
TOL = 0.005


def unfold3(x):
    B, C, H, W = x.shape
    xp = jnp.pad(x, ((0, 0), (0, 0), (1, 1), (1, 1)))
    cols = [xp[:, :, i:i + H, j:j + W] for i in range(KS) for j in range(KS)]
    p = jnp.stack(cols, axis=2)  # B, C, AREA, H, W  (matches torch unfold channel-major order)
    return p.reshape(B, C * AREA, H * W)


def mlp3(x, W1, b1, W2, b2, W3, b3):
    h = jax.nn.relu(x @ W1 + b1)
    h = jax.nn.relu(h @ W2 + b2)
    return h @ W3 + b3


def kmeans(features, key):
    B, N, F = features.shape
    outs = []
    for b in range(B):
        sample = features[b]
        perm = jax.random.permutation(jax.random.fold_in(key, b), N)[:CLUSTERS]
        centers = sample[perm]
        assign = jnp.zeros((N,), dtype=jnp.int32)

        def cond_fn(carry):
            i, centers, assign, done = carry
            return jnp.logical_and(i < MAX_ITER, jnp.logical_not(done))

        def body_fn(carry):
            i, centers, assign, done = carry
            d2 = jnp.sum(sample ** 2, axis=1, keepdims=True) + jnp.sum(centers ** 2, axis=1)[None, :] - 2.0 * (sample @ centers.T)
            assign = jnp.argmin(d2, axis=1)
            sums = jax.ops.segment_sum(sample, assign, num_segments=CLUSTERS)
            counts = jnp.bincount(assign, length=CLUSTERS).astype(sample.dtype)
            new_centers = jnp.where((counts > 0)[:, None], sums / jnp.maximum(counts, 1.0)[:, None], centers)
            shift = jnp.sum(jnp.linalg.norm(new_centers - centers, axis=1))
            done = shift < TOL * N
            return (i + 1, new_centers, assign, done)

        _, centers, assign, _ = jax.lax.while_loop(
            cond_fn, body_fn, (jnp.int32(0), centers, assign, jnp.bool_(False))
        )
        outs.append(assign)
    return jnp.stack(outs, axis=0)


def compute_cluster_centers(patches, indices):
    B, P, F = patches.shape
    seg = (indices + jnp.arange(B)[:, None] * CLUSTERS).reshape(-1)
    sums = jax.ops.segment_sum(patches.reshape(B * P, F), seg, num_segments=B * CLUSTERS).reshape(B, CLUSTERS, F)
    counts = jnp.bincount(seg, length=B * CLUSTERS).astype(patches.dtype).reshape(B, CLUSTERS, 1)
    return sums / jnp.maximum(counts, 1.0)


def apply_cluster_conv(patches, indices, weights, biases):
    B, P, F = patches.shape
    Kc = weights.shape[1]
    Cc = weights.shape[-1]
    patches_flat = patches.reshape(B * P, F)
    weights_flat = weights.reshape(B * Kc, F, Cc)
    biases_flat = biases.reshape(B * Kc, Cc)
    idx = (indices + jnp.arange(B)[:, None] * Kc).reshape(-1)
    output = jnp.zeros((B * P, Cc), dtype=patches.dtype)
    for i in range(B * Kc):
        seg = patches_flat @ weights_flat[i] + biases_flat[i]
        output = jnp.where((idx == i)[:, None], seg, output)
    return output.reshape(B, P, Cc)


def setup_inputs(seed: int = 0):
    key = jax.random.key(seed)
    ks = jax.random.split(key, 16)
    F = IN_C * AREA
    inp = {}
    inp["x"] = jax.random.normal(ks[0], (2, IN_C, 224, 224), dtype=jnp.float32)
    inp["base_kernels"] = jax.random.normal(ks[1], (NBASE, F, OUT_C), dtype=jnp.float32) * float(np.sqrt(2.0 / F))
    inp["kg_W1"] = jax.random.normal(ks[2], (F, HID), dtype=jnp.float32) * float(1.0 / np.sqrt(F))
    inp["kg_b1"] = jnp.zeros((HID,), dtype=jnp.float32)
    inp["kg_W2"] = jax.random.normal(ks[3], (HID, HID), dtype=jnp.float32) * float(1.0 / np.sqrt(HID))
    inp["kg_b2"] = jnp.zeros((HID,), dtype=jnp.float32)
    inp["kg_W3"] = jax.random.normal(ks[4], (HID, NBASE), dtype=jnp.float32) * float(1.0 / np.sqrt(HID))
    inp["kg_b3"] = jnp.zeros((NBASE,), dtype=jnp.float32)
    inp["bg_W1"] = jax.random.normal(ks[5], (F, HID), dtype=jnp.float32) * float(1.0 / np.sqrt(F))
    inp["bg_b1"] = jnp.zeros((HID,), dtype=jnp.float32)
    inp["bg_W2"] = jax.random.normal(ks[6], (HID, HID), dtype=jnp.float32) * float(1.0 / np.sqrt(HID))
    inp["bg_b2"] = jnp.zeros((HID,), dtype=jnp.float32)
    inp["bg_W3"] = jax.random.normal(ks[7], (HID, OUT_C), dtype=jnp.float32) * float(1.0 / np.sqrt(HID))
    inp["bg_b3"] = jnp.zeros((OUT_C,), dtype=jnp.float32)
    return inp


def reference(x, base_kernels, kg_W1, kg_b1, kg_W2, kg_b2, kg_W3, kg_b3, bg_W1, bg_b1, bg_W2, bg_b2, bg_W3, bg_b3):
    B, C, H, W = x.shape
    patches = jnp.transpose(unfold3(x), (0, 2, 1))  # b (h w) (c area)
    obs = patches.reshape(B, H * W, C, AREA).mean(axis=-1)
    cluster_indices = kmeans(obs, jax.random.key(42))
    centers = compute_cluster_centers(patches, cluster_indices)
    attn = jax.nn.softmax(mlp3(centers, kg_W1, kg_b1, kg_W2, kg_b2, kg_W3, kg_b3), axis=-1)
    kernels = jnp.einsum('bkn,nfc->bkfc', attn, base_kernels)
    biases = mlp3(centers, bg_W1, bg_b1, bg_W2, bg_b2, bg_W3, bg_b3)
    out = apply_cluster_conv(patches, cluster_indices, kernels, biases)
    out = jnp.transpose(out, (0, 2, 1)).reshape(B, OUT_C, H, W)
    return (out, cluster_indices)

if __name__ == "__main__":
    import jax
    _d = setup_inputs()
    print(jax.jit(kernel)(*tuple(_d.values())))

</pallas_src>

<mosaic_0001>
module attributes {stable_mosaic.version = 14 : i64} {
  func.func @_obs_kernel(%arg0: i32, %arg1: i32, %arg2: memref<1x96x2048xf32, #tpu.memory_space<vmem>>, %arg3: memref<1x96x2048xf32, #tpu.memory_space<vmem>>, %arg4: memref<1x96x2048xf32, #tpu.memory_space<vmem>>, %arg5: memref<1x2048x96xf32, #tpu.memory_space<vmem>>) attributes {dimension_semantics = [#tpu.dimension_semantics<arbitrary>, #tpu.dimension_semantics<arbitrary>], iteration_bounds = array<i64: 2, 28>, scalar_prefetch = 0 : i64, scratch_operands = 0 : i64, tpu.core_type = #tpu.core_type<tc>, window_params = [{transform_indices = @transform_0, window_bounds = array<i64: 1, 96, 2048>}, {transform_indices = @transform_1, window_bounds = array<i64: 1, 96, 2048>}, {transform_indices = @transform_2, window_bounds = array<i64: 1, 96, 2048>}, {transform_indices = @transform_3, window_bounds = array<i64: 1, 2048, 96>}]} {
    %get3A = arith.constant 0 : index
    %get3A_0 = arith.constant 0 : index
    %get3A_1 = arith.constant 0 : index
    %get3A_2 = vector.load %arg2[%get3A, %get3A_0, %get3A_1] : memref<1x96x2048xf32, #tpu.memory_space<vmem>>, vector<1x96x2048xf32>
    %get3A_3 = vector.shape_cast %get3A_2 : vector<1x96x2048xf32> to vector<96x2048xf32>
    %slice3A = vector.extract_strided_slice %get3A_3 {offsets = [0, 2047], sizes = [96, 1], strides = [1, 1]} : vector<96x2048xf32> to vector<96x1xf32>
    %slice3A_4 = vector.extract_strided_slice %get3A_3 {offsets = [0, 0], sizes = [96, 2047], strides = [1, 1]} : vector<96x2048xf32> to vector<96x2047xf32>
    %concatenate3A = tpu.concatenate %slice3A, %slice3A_4 in 1 : vector<96x1xf32>, vector<96x2047xf32> -> vector<96x2048xf32>
    %slice3A_5 = vector.extract_strided_slice %get3A_3 {offsets = [0, 1], sizes = [96, 2047], strides = [1, 1]} : vector<96x2048xf32> to vector<96x2047xf32>
    %slice3A_6 = vector.extract_strided_slice %get3A_3 {offsets = [0, 0], sizes = [96, 1], strides = [1, 1]} : vector<96x2048xf32> to vector<96x1xf32>
    %concatenate3A_7 = tpu.concatenate %slice3A_5, %slice3A_6 in 1 : vector<96x2047xf32>, vector<96x1xf32> -> vector<96x2048xf32>
    %get3A_8 = arith.constant 0 : index
    %get3A_9 = arith.constant 0 : index
    %get3A_10 = arith.constant 0 : index
    %get3A_11 = vector.load %arg3[%get3A_8, %get3A_9, %get3A_10] : memref<1x96x2048xf32, #tpu.memory_space<vmem>>, vector<1x96x2048xf32>
    %get3A_12 = vector.shape_cast %get3A_11 : vector<1x96x2048xf32> to vector<96x2048xf32>
    %slice3A_13 = vector.extract_strided_slice %get3A_12 {offsets = [0, 2047], sizes = [96, 1], strides = [1, 1]} : vector<96x2048xf32> to vector<96x1xf32>
    %slice3A_14 = vector.extract_strided_slice %get3A_12 {offsets = [0, 0], sizes = [96, 2047], strides = [1, 1]} : vector<96x2048xf32> to vector<96x2047xf32>
    %concatenate3A_15 = tpu.concatenate %slice3A_13, %slice3A_14 in 1 : vector<96x1xf32>, vector<96x2047xf32> -> vector<96x2048xf32>
    %slice3A_16 = vector.extract_strided_slice %get3A_12 {offsets = [0, 1], sizes = [96, 2047], strides = [1, 1]} : vector<96x2048xf32> to vector<96x2047xf32>
    %slice3A_17 = vector.extract_strided_slice %get3A_12 {offsets = [0, 0], sizes = [96, 1], strides = [1, 1]} : vector<96x2048xf32> to vector<96x1xf32>
    %concatenate3A_18 = tpu.concatenate %slice3A_16, %slice3A_17 in 1 : vector<96x2047xf32>, vector<96x1xf32> -> vector<96x2048xf32>
    %get3A_19 = arith.constant 0 : index
    %get3A_20 = arith.constant 0 : index
    %get3A_21 = arith.constant 0 : index
    %get3A_22 = vector.load %arg4[%get3A_19, %get3A_20, %get3A_21] : memref<1x96x2048xf32, #tpu.memory_space<vmem>>, vector<1x96x2048xf32>
    %get3A_23 = vector.shape_cast %get3A_22 : vector<1x96x2048xf32> to vector<96x2048xf32>
    %slice3A_24 = vector.extract_strided_slice %get3A_23 {offsets = [0, 2047], sizes = [96, 1], strides = [1, 1]} : vector<96x2048xf32> to vector<96x1xf32>
    %slice3A_25 = vector.extract_strided_slice %get3A_23 {offsets = [0, 0], sizes = [96, 2047], strides = [1, 1]} : vector<96x2048xf32> to vector<96x2047xf32>
    %concatenate3A_26 = tpu.concatenate %slice3A_24, %slice3A_25 in 1 : vector<96x1xf32>, vector<96x2047xf32> -> vector<96x2048xf32>
    %slice3A_27 = vector.extract_strided_slice %get3A_23 {offsets = [0, 1], sizes = [96, 2047], strides = [1, 1]} : vector<96x2048xf32> to vector<96x2047xf32>
    %slice3A_28 = vector.extract_strided_slice %get3A_23 {offsets = [0, 0], sizes = [96, 1], strides = [1, 1]} : vector<96x2048xf32> to vector<96x1xf32>
    %concatenate3A_29 = tpu.concatenate %slice3A_27, %slice3A_28 in 1 : vector<96x2047xf32>, vector<96x1xf32> -> vector<96x2048xf32>
    %add3A = arith.addf %concatenate3A, %get3A_3 : vector<96x2048xf32>
    %add3A_30 = arith.addf %add3A, %concatenate3A_7 : vector<96x2048xf32>
    %add3A_31 = arith.addf %add3A_30, %concatenate3A_15 : vector<96x2048xf32>
    %add3A_32 = arith.addf %add3A_31, %get3A_12 : vector<96x2048xf32>
    %add3A_33 = arith.addf %add3A_32, %concatenate3A_18 : vector<96x2048xf32>
    %add3A_34 = arith.addf %add3A_33, %concatenate3A_26 : vector<96x2048xf32>
    %add3A_35 = arith.addf %add3A_34, %get3A_23 : vector<96x2048xf32>
    %add3A_36 = arith.addf %add3A_35, %concatenate3A_29 : vector<96x2048xf32>
    %div3A = arith.constant 9.000000e+00 : f32
    %div3A_37 = vector.broadcast %div3A : f32 to vector<96x2048xf32>
    %div3A_38 = arith.divf %add3A_36, %div3A_37 : vector<96x2048xf32>
    %transpose3A = tpu.transpose %div3A_38, [1, 0] : vector<96x2048xf32> -> vector<2048x96xf32>
    %swap3A = arith.constant 0 : index
    %swap3A_39 = arith.constant 0 : index
    %swap3A_40 = arith.constant 0 : index
    %swap3A_41 = vector.load %arg5[%swap3A, %swap3A_39, %swap3A_40] : memref<1x2048x96xf32, #tpu.memory_space<vmem>>, vector<1x2048x96xf32>
    %swap3A_42 = vector.shape_cast %swap3A_41 : vector<1x2048x96xf32> to vector<2048x96xf32>
    %swap3A_43 = vector.shape_cast %transpose3A : vector<2048x96xf32> to vector<1x2048x96xf32>
    tpu.vector_store %arg5[%swap3A, %swap3A_39, %swap3A_40], %swap3A_43 {strides = array<i32>} : memref<1x2048x96xf32, #tpu.memory_space<vmem>>, vector<1x2048x96xf32>,
    return
  }
  func.func @transform_0(%arg0: i32, %arg1: i32) -> (i32, i32, i32) {
    %c0_i32 = arith.constant 0 : i32
    %c0_i32_0 = arith.constant 0 : i32
    return %arg0, %c0_i32, %arg1 : i32, i32, i32
  }
  func.func @transform_1(%arg0: i32, %arg1: i32) -> (i32, i32, i32) {
    %c0_i32 = arith.constant 0 : i32
    %c0_i32_0 = arith.constant 0 : i32
    return %arg0, %c0_i32, %arg1 : i32, i32, i32
  }
  func.func @transform_2(%arg0: i32, %arg1: i32) -> (i32, i32, i32) {
    %c0_i32 = arith.constant 0 : i32
    %c0_i32_0 = arith.constant 0 : i32
    return %arg0, %c0_i32, %arg1 : i32, i32, i32
  }
  func.func @transform_3(%arg0: i32, %arg1: i32) -> (i32, i32, i32) {
    %c0_i32 = arith.constant 0 : i32
    %c0_i32_0 = arith.constant 0 : i32
    return %arg0, %arg1, %c0_i32 : i32, i32, i32
  }
}

module attributes {stable_mosaic.version = 14 : i64} {
  func.func @_segsum_kernel(%arg0: i32, %arg1: i32, %arg2: memref<1x1024x1xi32, #tpu.memory_space<vmem>>, %arg3: memref<1x1024x96xf32, #tpu.memory_space<vmem>>, %arg4: memref<1x32x96xf32, #tpu.memory_space<vmem>>, %arg5: memref<1x1x32xf32, #tpu.memory_space<vmem>>) attributes {dimension_semantics = [#tpu.dimension_semantics<arbitrary>, #tpu.dimension_semantics<arbitrary>], iteration_bounds = array<i64: 2, 49>, scalar_prefetch = 0 : i64, scratch_operands = 0 : i64, tpu.core_type = #tpu.core_type<tc>, window_params = [{transform_indices = @transform_0, window_bounds = array<i64: 1, 1024, 1>}, {transform_indices = @transform_1, window_bounds = array<i64: 1, 1024, 96>}, {transform_indices = @transform_2, window_bounds = array<i64: 1, 32, 96>}, {transform_indices = @transform_3, window_bounds = array<i64: 1, 1, 32>}]} {
    %get3A = arith.constant 0 : index
    %get3A_0 = arith.constant 0 : index
    %get3A_1 = arith.constant 0 : index
    %get3A_2 = vector.load %arg2[%get3A, %get3A_0, %get3A_1] : memref<1x1024x1xi32, #tpu.memory_space<vmem>>, vector<1x1024x1xi32>
    %get3A_3 = vector.shape_cast %get3A_2 : vector<1x1024x1xi32> to vector<1024x1xi32>
    %iota3A = tpu.iota {dimensions = array<i32: 1>} : vector<1024x32xi32>
    %eq3A = vector.broadcast %get3A_3 : vector<1024x1xi32> to vector<1024x32xi32>
    %eq3A_4 = arith.cmpi eq, %eq3A, %iota3A : vector<1024x32xi32>
    %convert_element_type3A = arith.extui %eq3A_4 : vector<1024x32xi1> to vector<1024x32xi32>
    %convert_element_type3A_5 = arith.sitofp %convert_element_type3A : vector<1024x32xi32> to vector<1024x32xf32>
    %get3A_6 = arith.constant 0 : index
    %get3A_7 = arith.constant 0 : index
    %get3A_8 = arith.constant 0 : index
    %get3A_9 = vector.load %arg3[%get3A_6, %get3A_7, %get3A_8] : memref<1x1024x96xf32, #tpu.memory_space<vmem>>, vector<1x1024x96xf32>
    %get3A_10 = vector.shape_cast %get3A_9 : vector<1x1024x96xf32> to vector<1024x96xf32>
    %dot_general3A = arith.constant dense<0.000000e+00> : vector<32x96xf32>
    %dot_general3A_11 = tpu.matmul %convert_element_type3A_5, %get3A_10, %dot_general3A {dimension_numbers = #tpu.dot_dimension_numbers<[0], [0], [1], [1], [0, 1, 1, 1], [], []>, transpose_lhs_hint = false} : vector<1024x32xf32>, vector<1024x96xf32>, vector<32x96xf32> -> vector<32x96xf32>
    %reduce_sum3A = arith.constant dense<0.000000e+00> : vector<32xf32>
    %reduce_sum3A_12 = vector.multi_reduction <add>, %convert_element_type3A_5, %reduce_sum3A [0] : vector<1024x32xf32> to vector<32xf32>
    %broadcast_in_dim3A = vector.shape_cast %reduce_sum3A_12 : vector<32xf32> to vector<1x32xf32>
    %eq3A_13 = arith.constant 0 : i32
    %eq3A_14 = arith.cmpi eq, %arg1, %eq3A_13 : i32
    %convert_element_type3A_15 = arith.extui %eq3A_14 : i1 to i32
    %cond3A = arith.constant 0 : i32
    %cond3A_16 = arith.cmpi ne, %convert_element_type3A_15, %cond3A : i32
    scf.if %cond3A_16 {
      %swap3A = arith.constant 0 : index
      %swap3A_21 = arith.constant 0 : index
      %swap3A_22 = arith.constant 0 : index
      %swap3A_23 = vector.load %arg4[%swap3A, %swap3A_21, %swap3A_22] : memref<1x32x96xf32, #tpu.memory_space<vmem>>, vector<1x32x96xf32>
      %swap3A_24 = vector.shape_cast %swap3A_23 : vector<1x32x96xf32> to vector<32x96xf32>
      %swap3A_25 = vector.shape_cast %dot_general3A_11 : vector<32x96xf32> to vector<1x32x96xf32>
      tpu.vector_store %arg4[%swap3A, %swap3A_21, %swap3A_22], %swap3A_25 {strides = array<i32>} : memref<1x32x96xf32, #tpu.memory_space<vmem>>, vector<1x32x96xf32>,
      %swap3A_26 = arith.constant 0 : index
      %swap3A_27 = arith.constant 0 : index
      %swap3A_28 = arith.constant 0 : index
      %swap3A_29 = vector.load %arg5[%swap3A_26, %swap3A_27, %swap3A_28] : memref<1x1x32xf32, #tpu.memory_space<vmem>>, vector<1x1x32xf32>
      %swap3A_30 = vector.shape_cast %swap3A_29 : vector<1x1x32xf32> to vector<1x32xf32>
      %swap3A_31 = vector.shape_cast %broadcast_in_dim3A : vector<1x32xf32> to vector<1x1x32xf32>
      tpu.vector_store %arg5[%swap3A_26, %swap3A_27, %swap3A_28], %swap3A_31 {strides = array<i32>} : memref<1x1x32xf32, #tpu.memory_space<vmem>>, vector<1x1x32xf32>,
    } else {
    }
    %ne3A = arith.constant 0 : i32
    %ne3A_17 = arith.cmpi ne, %arg1, %ne3A : i32
    %convert_element_type3A_18 = arith.extui %ne3A_17 : i1 to i32
    %cond3A_19 = arith.constant 0 : i32
    %cond3A_20 = arith.cmpi ne, %convert_element_type3A_18, %cond3A_19 : i32
    scf.if %cond3A_20 {
      %get3A_21 = arith.constant 0 : index
      %get3A_22 = arith.constant 0 : index
      %get3A_23 = arith.constant 0 : index
      %get3A_24 = vector.load %arg4[%get3A_21, %get3A_22, %get3A_23] : memref<1x32x96xf32, #tpu.memory_space<vmem>>, vector<1x32x96xf32>
      %get3A_25 = vector.shape_cast %get3A_24 : vector<1x32x96xf32> to vector<32x96xf32>
      %add3A = arith.addf %get3A_25, %dot_general3A_11 : vector<32x96xf32>
      %swap3A = arith.constant 0 : index
      %swap3A_26 = arith.constant 0 : index
      %swap3A_27 = arith.constant 0 : index
      %swap3A_28 = vector.load %arg4[%swap3A, %swap3A_26, %swap3A_27] : memref<1x32x96xf32, #tpu.memory_space<vmem>>, vector<1x32x96xf32>
      %swap3A_29 = vector.shape_cast %swap3A_28 : vector<1x32x96xf32> to vector<32x96xf32>
      %swap3A_30 = vector.shape_cast %add3A : vector<32x96xf32> to vector<1x32x96xf32>
      tpu.vector_store %arg4[%swap3A, %swap3A_26, %swap3A_27], %swap3A_30 {strides = array<i32>} : memref<1x32x96xf32, #tpu.memory_space<vmem>>, vector<1x32x96xf32>,
      %get3A_31 = arith.constant 0 : index
      %get3A_32 = arith.constant 0 : index
      %get3A_33 = arith.constant 0 : index
      %get3A_34 = vector.load %arg5[%get3A_31, %get3A_32, %get3A_33] : memref<1x1x32xf32, #tpu.memory_space<vmem>>, vector<1x1x32xf32>
      %get3A_35 = vector.shape_cast %get3A_34 : vector<1x1x32xf32> to vector<1x32xf32>
      %add3A_36 = arith.addf %get3A_35, %broadcast_in_dim3A : vector<1x32xf32>
      %swap3A_37 = arith.constant 0 : index
      %swap3A_38 = arith.constant 0 : index
      %swap3A_39 = arith.constant 0 : index
      %swap3A_40 = vector.load %arg5[%swap3A_37, %swap3A_38, %swap3A_39] : memref<1x1x32xf32, #tpu.memory_space<vmem>>, vector<1x1x32xf32>
      %swap3A_41 = vector.shape_cast %swap3A_40 : vector<1x1x32xf32> to vector<1x32xf32>
      %swap3A_42 = vector.shape_cast %add3A_36 : vector<1x32xf32> to vector<1x1x32xf32>
      tpu.vector_store %arg5[%swap3A_37, %swap3A_38, %swap3A_39], %swap3A_42 {strides = array<i32>} : memref<1x1x32xf32, #tpu.memory_space<vmem>>, vector<1x1x32xf32>,
    } else {
    }
    return
  }
  func.func @transform_0(%arg0: i32, %arg1: i32) -> (i32, i32, i32) {
    %c0_i32 = arith.constant 0 : i32
    %c0_i32_0 = arith.constant 0 : i32
    return %arg0, %arg1, %c0_i32 : i32, i32, i32
  }
  func.func @transform_1(%arg0: i32, %arg1: i32) -> (i32, i32, i32) {
    %c0_i32 = arith.constant 0 : i32
    %c0_i32_0 = arith.constant 0 : i32
    return %arg0, %arg1, %c0_i32 : i32, i32, i32
  }
  func.func @transform_2(%arg0: i32, %arg1: i32) -> (i32, i32, i32) {
    %c0_i32 = arith.constant 0 : i32
    %c0_i32_0 = arith.constant 0 : i32
    %c0_i32_1 = arith.constant 0 : i32
    return %arg0, %c0_i32, %c0_i32_0 : i32, i32, i32
  }
  func.func @transform_3(%arg0: i32, %arg1: i32) -> (i32, i32, i32) {
    %c0_i32 = arith.constant 0 : i32
    %c0_i32_0 = arith.constant 0 : i32
    %c0_i32_1 = arith.constant 0 : i32
    return %arg0, %c0_i32, %c0_i32_0 : i32, i32, i32
  }
}

module attributes {stable_mosaic.version = 14 : i64} {
  func.func @_centers_kernel(%arg0: i32, %arg1: i32, %arg2: memref<1x1x2048xi32, #tpu.memory_space<vmem>>, %arg3: memref<1x96x2048xf32, #tpu.memory_space<vmem>>, %arg4: memref<1x96x2048xf32, #tpu.memory_space<vmem>>, %arg5: memref<1x96x2048xf32, #tpu.memory_space<vmem>>, %arg6: memref<1x32x864xf32, #tpu.memory_space<vmem>>, %arg7: memref<1x32x1xf32, #tpu.memory_space<vmem>>) attributes {dimension_semantics = [#tpu.dimension_semantics<arbitrary>, #tpu.dimension_semantics<arbitrary>], iteration_bounds = array<i64: 2, 28>, scalar_prefetch = 0 : i64, scratch_operands = 0 : i64, tpu.core_type = #tpu.core_type<tc>, window_params = [{transform_indices = @transform_0, window_bounds = array<i64: 1, 1, 2048>}, {transform_indices = @transform_1, window_bounds = array<i64: 1, 96, 2048>}, {transform_indices = @transform_2, window_bounds = array<i64: 1, 96, 2048>}, {transform_indices = @transform_3, window_bounds = array<i64: 1, 96, 2048>}, {transform_indices = @transform_4, window_bounds = array<i64: 1, 32, 864>}, {transform_indices = @transform_5, window_bounds = array<i64: 1, 32, 1>}]} {
    %get3A = arith.constant 0 : index
    %get3A_0 = arith.constant 0 : index
    %get3A_1 = arith.constant 0 : index
    %get3A_2 = vector.load %arg3[%get3A, %get3A_0, %get3A_1] : memref<1x96x2048xf32, #tpu.memory_space<vmem>>, vector<1x96x2048xf32>
    %get3A_3 = vector.shape_cast %get3A_2 : vector<1x96x2048xf32> to vector<96x2048xf32>
    %slice3A = vector.extract_strided_slice %get3A_3 {offsets = [0, 2047], sizes = [96, 1], strides = [1, 1]} : vector<96x2048xf32> to vector<96x1xf32>
    %slice3A_4 = vector.extract_strided_slice %get3A_3 {offsets = [0, 0], sizes = [96, 2047], strides = [1, 1]} : vector<96x2048xf32> to vector<96x2047xf32>
    %concatenate3A = tpu.concatenate %slice3A, %slice3A_4 in 1 : vector<96x1xf32>, vector<96x2047xf32> -> vector<96x2048xf32>
    %slice3A_5 = vector.extract_strided_slice %get3A_3 {offsets = [0, 1], sizes = [96, 2047], strides = [1, 1]} : vector<96x2048xf32> to vector<96x2047xf32>
    %slice3A_6 = vector.extract_strided_slice %get3A_3 {offsets = [0, 0], sizes = [96, 1], strides = [1, 1]} : vector<96x2048xf32> to vector<96x1xf32>
    %concatenate3A_7 = tpu.concatenate %slice3A_5, %slice3A_6 in 1 : vector<96x2047xf32>, vector<96x1xf32> -> vector<96x2048xf32>
    %get3A_8 = arith.constant 0 : index
    %get3A_9 = arith.constant 0 : index
    %get3A_10 = arith.constant 0 : index
    %get3A_11 = vector.load %arg4[%get3A_8, %get3A_9, %get3A_10] : memref<1x96x2048xf32, #tpu.memory_space<vmem>>, vector<1x96x2048xf32>
    %get3A_12 = vector.shape_cast %get3A_11 : vector<1x96x2048xf32> to vector<96x2048xf32>
    %slice3A_13 = vector.extract_strided_slice %get3A_12 {offsets = [0, 2047], sizes = [96, 1], strides = [1, 1]} : vector<96x2048xf32> to vector<96x1xf32>
    %slice3A_14 = vector.extract_strided_slice %get3A_12 {offsets = [0, 0], sizes = [96, 2047], strides = [1, 1]} : vector<96x2048xf32> to vector<96x2047xf32>
    %concatenate3A_15 = tpu.concatenate %slice3A_13, %slice3A_14 in 1 : vector<96x1xf32>, vector<96x2047xf32> -> vector<96x2048xf32>
    %slice3A_16 = vector.extract_strided_slice %get3A_12 {offsets = [0, 1], sizes = [96, 2047], strides = [1, 1]} : vector<96x2048xf32> to vector<96x2047xf32>
    %slice3A_17 = vector.extract_strided_slice %get3A_12 {offsets = [0, 0], sizes = [96, 1], strides = [1, 1]} : vector<96x2048xf32> to vector<96x1xf32>
    %concatenate3A_18 = tpu.concatenate %slice3A_16, %slice3A_17 in 1 : vector<96x2047xf32>, vector<96x1xf32> -> vector<96x2048xf32>
    %get3A_19 = arith.constant 0 : index
    %get3A_20 = arith.constant 0 : index
    %get3A_21 = arith.constant 0 : index
    %get3A_22 = vector.load %arg5[%get3A_19, %get3A_20, %get3A_21] : memref<1x96x2048xf32, #tpu.memory_space<vmem>>, vector<1x96x2048xf32>
    %get3A_23 = vector.shape_cast %get3A_22 : vector<1x96x2048xf32> to vector<96x2048xf32>
    %slice3A_24 = vector.extract_strided_slice %get3A_23 {offsets = [0, 2047], sizes = [96, 1], strides = [1, 1]} : vector<96x2048xf32> to vector<96x1xf32>
    %slice3A_25 = vector.extract_strided_slice %get3A_23 {offsets = [0, 0], sizes = [96, 2047], strides = [1, 1]} : vector<96x2048xf32> to vector<96x2047xf32>
    %concatenate3A_26 = tpu.concatenate %slice3A_24, %slice3A_25 in 1 : vector<96x1xf32>, vector<96x2047xf32> -> vector<96x2048xf32>
    %slice3A_27 = vector.extract_strided_slice %get3A_23 {offsets = [0, 1], sizes = [96, 2047], strides = [1, 1]} : vector<96x2048xf32> to vector<96x2047xf32>
    %slice3A_28 = vector.extract_strided_slice %get3A_23 {offsets = [0, 0], sizes = [96, 1], strides = [1, 1]} : vector<96x2048xf32> to vector<96x1xf32>
    %concatenate3A_29 = tpu.concatenate %slice3A_27, %slice3A_28 in 1 : vector<96x2047xf32>, vector<96x1xf32> -> vector<96x2048xf32>
    %concatenate3A_30 = tpu.concatenate %concatenate3A, %get3A_3, %concatenate3A_7, %concatenate3A_15, %get3A_12, %concatenate3A_18, %concatenate3A_26, %get3A_23, %concatenate3A_29 in 0 : vector<96x2048xf32>, vector<96x2048xf32>, vector<96x2048xf32>, vector<96x2048xf32>, vector<96x2048xf32>, vector<96x2048xf32>, vector<96x2048xf32>, vector<96x2048xf32>, vector<96x2048xf32> -> vector<864x2048xf32>
    %get3A_31 = arith.constant 0 : index
    %get3A_32 = arith.constant 0 : index
    %get3A_33 = arith.constant 0 : index
    %get3A_34 = vector.load %arg2[%get3A_31, %get3A_32, %get3A_33] : memref<1x1x2048xi32, #tpu.memory_space<vmem>>, vector<1x1x2048xi32>
    %get3A_35 = vector.shape_cast %get3A_34 : vector<1x1x2048xi32> to vector<1x2048xi32>
    %iota3A = tpu.iota {dimensions = array<i32: 0>} : vector<32x2048xi32>
    %eq3A = vector.broadcast %get3A_35 : vector<1x2048xi32> to vector<32x2048xi32>
    %eq3A_36 = arith.cmpi eq, %eq3A, %iota3A : vector<32x2048xi32>
    %convert_element_type3A = arith.extui %eq3A_36 : vector<32x2048xi1> to vector<32x2048xi32>
    %convert_element_type3A_37 = arith.sitofp %convert_element_type3A : vector<32x2048xi32> to vector<32x2048xf32>
    %dot_general3A = arith.constant dense<0.000000e+00> : vector<32x864xf32>
    %dot_general3A_38 = tpu.matmul %convert_element_type3A_37, %concatenate3A_30, %dot_general3A {dimension_numbers = #tpu.dot_dimension_numbers<[1], [1], [0], [0], [0, 0, 1, 0], [], []>, transpose_lhs_hint = false} : vector<32x2048xf32>, vector<864x2048xf32>, vector<32x864xf32> -> vector<32x864xf32>
    %reduce_sum3A = arith.constant dense<0.000000e+00> : vector<32xf32>
    %reduce_sum3A_39 = vector.multi_reduction <add>, %convert_element_type3A_37, %reduce_sum3A [1] : vector<32x2048xf32> to vector<32xf32>
    %broadcast_in_dim3A = vector.shape_cast %reduce_sum3A_39 : vector<32xf32> to vector<32x1xf32>
    %eq3A_40 = arith.constant 0 : i32
    %eq3A_41 = arith.cmpi eq, %arg1, %eq3A_40 : i32
    %convert_element_type3A_42 = arith.extui %eq3A_41 : i1 to i32
    %cond3A = arith.constant 0 : i32
    %cond3A_43 = arith.cmpi ne, %convert_element_type3A_42, %cond3A : i32
    scf.if %cond3A_43 {
      %swap3A = arith.constant 0 : index
      %swap3A_48 = arith.constant 0 : index
      %swap3A_49 = arith.constant 0 : index
      %swap3A_50 = vector.load %arg6[%swap3A, %swap3A_48, %swap3A_49] : memref<1x32x864xf32, #tpu.memory_space<vmem>>, vector<1x32x864xf32>
      %swap3A_51 = vector.shape_cast %swap3A_50 : vector<1x32x864xf32> to vector<32x864xf32>
      %swap3A_52 = vector.shape_cast %dot_general3A_38 : vector<32x864xf32> to vector<1x32x864xf32>
      tpu.vector_store %arg6[%swap3A, %swap3A_48, %swap3A_49], %swap3A_52 {strides = array<i32>} : memref<1x32x864xf32, #tpu.memory_space<vmem>>, vector<1x32x864xf32>,
      %swap3A_53 = arith.constant 0 : index
      %swap3A_54 = arith.constant 0 : index
      %swap3A_55 = arith.constant 0 : index
      %swap3A_56 = vector.load %arg7[%swap3A_53, %swap3A_54, %swap3A_55] : memref<1x32x1xf32, #tpu.memory_space<vmem>>, vector<1x32x1xf32>
      %swap3A_57 = vector.shape_cast %swap3A_56 : vector<1x32x1xf32> to vector<32x1xf32>
      %swap3A_58 = vector.shape_cast %broadcast_in_dim3A : vector<32x1xf32> to vector<1x32x1xf32>
      tpu.vector_store %arg7[%swap3A_53, %swap3A_54, %swap3A_55], %swap3A_58 {strides = array<i32>} : memref<1x32x1xf32, #tpu.memory_space<vmem>>, vector<1x32x1xf32>,
    } else {
    }
    %ne3A = arith.constant 0 : i32
    %ne3A_44 = arith.cmpi ne, %arg1, %ne3A : i32
    %convert_element_type3A_45 = arith.extui %ne3A_44 : i1 to i32
    %cond3A_46 = arith.constant 0 : i32
    %cond3A_47 = arith.cmpi ne, %convert_element_type3A_45, %cond3A_46 : i32
    scf.if %cond3A_47 {
      %get3A_48 = arith.constant 0 : index
      %get3A_49 = arith.constant 0 : index
      %get3A_50 = arith.constant 0 : index
      %get3A_51 = vector.load %arg6[%get3A_48, %get3A_49, %get3A_50] : memref<1x32x864xf32, #tpu.memory_space<vmem>>, vector<1x32x864xf32>
      %get3A_52 = vector.shape_cast %get3A_51 : vector<1x32x864xf32> to vector<32x864xf32>
      %add3A = arith.addf %get3A_52, %dot_general3A_38 : vector<32x864xf32>
      %swap3A = arith.constant 0 : index
      %swap3A_53 = arith.constant 0 : index
      %swap3A_54 = arith.constant 0 : index
      %swap3A_55 = vector.load %arg6[%swap3A, %swap3A_53, %swap3A_54] : memref<1x32x864xf32, #tpu.memory_space<vmem>>, vector<1x32x864xf32>
      %swap3A_56 = vector.shape_cast %swap3A_55 : vector<1x32x864xf32> to vector<32x864xf32>
      %swap3A_57 = vector.shape_cast %add3A : vector<32x864xf32> to vector<1x32x864xf32>
      tpu.vector_store %arg6[%swap3A, %swap3A_53, %swap3A_54], %swap3A_57 {strides = array<i32>} : memref<1x32x864xf32, #tpu.memory_space<vmem>>, vector<1x32x864xf32>,
      %get3A_58 = arith.constant 0 : index
      %get3A_59 = arith.constant 0 : index
      %get3A_60 = arith.constant 0 : index
      %get3A_61 = vector.load %arg7[%get3A_58, %get3A_59, %get3A_60] : memref<1x32x1xf32, #tpu.memory_space<vmem>>, vector<1x32x1xf32>
      %get3A_62 = vector.shape_cast %get3A_61 : vector<1x32x1xf32> to vector<32x1xf32>
      %add3A_63 = arith.addf %get3A_62, %broadcast_in_dim3A : vector<32x1xf32>
      %swap3A_64 = arith.constant 0 : index
      %swap3A_65 = arith.constant 0 : index
      %swap3A_66 = arith.constant 0 : index
      %swap3A_67 = vector.load %arg7[%swap3A_64, %swap3A_65, %swap3A_66] : memref<1x32x1xf32, #tpu.memory_space<vmem>>, vector<1x32x1xf32>
      %swap3A_68 = vector.shape_cast %swap3A_67 : vector<1x32x1xf32> to vector<32x1xf32>
      %swap3A_69 = vector.shape_cast %add3A_63 : vector<32x1xf32> to vector<1x32x1xf32>
      tpu.vector_store %arg7[%swap3A_64, %swap3A_65, %swap3A_66], %swap3A_69 {strides = array<i32>} : memref<1x32x1xf32, #tpu.memory_space<vmem>>, vector<1x32x1xf32>,
    } else {
    }
    return
  }
  func.func @transform_0(%arg0: i32, %arg1: i32) -> (i32, i32, i32) {
    %c0_i32 = arith.constant 0 : i32
    %c0_i32_0 = arith.constant 0 : i32
    return %arg0, %c0_i32, %arg1 : i32, i32, i32
  }
  func.func @transform_1(%arg0: i32, %arg1: i32) -> (i32, i32, i32) {
    %c0_i32 = arith.constant 0 : i32
    %c0_i32_0 = arith.constant 0 : i32
    return %arg0, %c0_i32, %arg1 : i32, i32, i32
  }
  func.func @transform_2(%arg0: i32, %arg1: i32) -> (i32, i32, i32) {
    %c0_i32 = arith.constant 0 : i32
    %c0_i32_0 = arith.constant 0 : i32
    return %arg0, %c0_i32, %arg1 : i32, i32, i32
  }
  func.func @transform_3(%arg0: i32, %arg1: i32) -> (i32, i32, i32) {
    %c0_i32 = arith.constant 0 : i32
    %c0_i32_0 = arith.constant 0 : i32
    return %arg0, %c0_i32, %arg1 : i32, i32, i32
  }
  func.func @transform_4(%arg0: i32, %arg1: i32) -> (i32, i32, i32) {
    %c0_i32 = arith.constant 0 : i32
    %c0_i32_0 = arith.constant 0 : i32
    %c0_i32_1 = arith.constant 0 : i32
    return %arg0, %c0_i32, %c0_i32_0 : i32, i32, i32
  }
  func.func @transform_5(%arg0: i32, %arg1: i32) -> (i32, i32, i32) {
    %c0_i32 = arith.constant 0 : i32
    %c0_i32_0 = arith.constant 0 : i32
    %c0_i32_1 = arith.constant 0 : i32
    return %arg0, %c0_i32, %c0_i32_0 : i32, i32, i32
  }
}

module attributes {stable_mosaic.version = 14 : i64} {
  func.func @_conv_kernel(%arg0: i32, %arg1: i32, %arg2: memref<1x1x2048xi32, #tpu.memory_space<vmem>>, %arg3: memref<1x96x2048xf32, #tpu.memory_space<vmem>>, %arg4: memref<1x96x2048xf32, #tpu.memory_space<vmem>>, %arg5: memref<1x96x2048xf32, #tpu.memory_space<vmem>>, %arg6: memref<1x8x384x864xbf16, #tpu.memory_space<vmem>>, %arg7: memref<1x96x32xf32, #tpu.memory_space<vmem>>, %arg8: memref<1x96x2048xf32, #tpu.memory_space<vmem>>) attributes {dimension_semantics = [#tpu.dimension_semantics<arbitrary>, #tpu.dimension_semantics<arbitrary>], iteration_bounds = array<i64: 2, 28>, scalar_prefetch = 0 : i64, scratch_operands = 0 : i64, tpu.core_type = #tpu.core_type<tc>, window_params = [{transform_indices = @transform_0, window_bounds = array<i64: 1, 1, 2048>}, {transform_indices = @transform_1, window_bounds = array<i64: 1, 96, 2048>}, {transform_indices = @transform_2, window_bounds = array<i64: 1, 96, 2048>}, {transform_indices = @transform_3, window_bounds = array<i64: 1, 96, 2048>}, {transform_indices = @transform_4, window_bounds = array<i64: 1, 8, 384, 864>}, {transform_indices = @transform_5, window_bounds = array<i64: 1, 96, 32>}, {transform_indices = @transform_6, window_bounds = array<i64: 1, 96, 2048>}]} {
    %get3A = arith.constant 0 : index
    %get3A_0 = arith.constant 0 : index
    %get3A_1 = arith.constant 0 : index
    %get3A_2 = vector.load %arg3[%get3A, %get3A_0, %get3A_1] : memref<1x96x2048xf32, #tpu.memory_space<vmem>>, vector<1x96x2048xf32>
    %get3A_3 = vector.shape_cast %get3A_2 : vector<1x96x2048xf32> to vector<96x2048xf32>
    %slice3A = vector.extract_strided_slice %get3A_3 {offsets = [0, 2047], sizes = [96, 1], strides = [1, 1]} : vector<96x2048xf32> to vector<96x1xf32>
    %slice3A_4 = vector.extract_strided_slice %get3A_3 {offsets = [0, 0], sizes = [96, 2047], strides = [1, 1]} : vector<96x2048xf32> to vector<96x2047xf32>
    %concatenate3A = tpu.concatenate %slice3A, %slice3A_4 in 1 : vector<96x1xf32>, vector<96x2047xf32> -> vector<96x2048xf32>
    %slice3A_5 = vector.extract_strided_slice %get3A_3 {offsets = [0, 1], sizes = [96, 2047], strides = [1, 1]} : vector<96x2048xf32> to vector<96x2047xf32>
    %slice3A_6 = vector.extract_strided_slice %get3A_3 {offsets = [0, 0], sizes = [96, 1], strides = [1, 1]} : vector<96x2048xf32> to vector<96x1xf32>
    %concatenate3A_7 = tpu.concatenate %slice3A_5, %slice3A_6 in 1 : vector<96x2047xf32>, vector<96x1xf32> -> vector<96x2048xf32>
    %get3A_8 = arith.constant 0 : index
    %get3A_9 = arith.constant 0 : index
    %get3A_10 = arith.constant 0 : index
    %get3A_11 = vector.load %arg4[%get3A_8, %get3A_9, %get3A_10] : memref<1x96x2048xf32, #tpu.memory_space<vmem>>, vector<1x96x2048xf32>
    %get3A_12 = vector.shape_cast %get3A_11 : vector<1x96x2048xf32> to vector<96x2048xf32>
    %slice3A_13 = vector.extract_strided_slice %get3A_12 {offsets = [0, 2047], sizes = [96, 1], strides = [1, 1]} : vector<96x2048xf32> to vector<96x1xf32>
    %slice3A_14 = vector.extract_strided_slice %get3A_12 {offsets = [0, 0], sizes = [96, 2047], strides = [1, 1]} : vector<96x2048xf32> to vector<96x2047xf32>
    %concatenate3A_15 = tpu.concatenate %slice3A_13, %slice3A_14 in 1 : vector<96x1xf32>, vector<96x2047xf32> -> vector<96x2048xf32>
    %slice3A_16 = vector.extract_strided_slice %get3A_12 {offsets = [0, 1], sizes = [96, 2047], strides = [1, 1]} : vector<96x2048xf32> to vector<96x2047xf32>
    %slice3A_17 = vector.extract_strided_slice %get3A_12 {offsets = [0, 0], sizes = [96, 1], strides = [1, 1]} : vector<96x2048xf32> to vector<96x1xf32>
    %concatenate3A_18 = tpu.concatenate %slice3A_16, %slice3A_17 in 1 : vector<96x2047xf32>, vector<96x1xf32> -> vector<96x2048xf32>
    %get3A_19 = arith.constant 0 : index
    %get3A_20 = arith.constant 0 : index
    %get3A_21 = arith.constant 0 : index
    %get3A_22 = vector.load %arg5[%get3A_19, %get3A_20, %get3A_21] : memref<1x96x2048xf32, #tpu.memory_space<vmem>>, vector<1x96x2048xf32>
    %get3A_23 = vector.shape_cast %get3A_22 : vector<1x96x2048xf32> to vector<96x2048xf32>
    %slice3A_24 = vector.extract_strided_slice %get3A_23 {offsets = [0, 2047], sizes = [96, 1], strides = [1, 1]} : vector<96x2048xf32> to vector<96x1xf32>
    %slice3A_25 = vector.extract_strided_slice %get3A_23 {offsets = [0, 0], sizes = [96, 2047], strides = [1, 1]} : vector<96x2048xf32> to vector<96x2047xf32>
    %concatenate3A_26 = tpu.concatenate %slice3A_24, %slice3A_25 in 1 : vector<96x1xf32>, vector<96x2047xf32> -> vector<96x2048xf32>
    %slice3A_27 = vector.extract_strided_slice %get3A_23 {offsets = [0, 1], sizes = [96, 2047], strides = [1, 1]} : vector<96x2048xf32> to vector<96x2047xf32>
    %slice3A_28 = vector.extract_strided_slice %get3A_23 {offsets = [0, 0], sizes = [96, 1], strides = [1, 1]} : vector<96x2048xf32> to vector<96x1xf32>
    %concatenate3A_29 = tpu.concatenate %slice3A_27, %slice3A_28 in 1 : vector<96x2047xf32>, vector<96x1xf32> -> vector<96x2048xf32>
    %concatenate3A_30 = tpu.concatenate %concatenate3A, %get3A_3, %concatenate3A_7, %concatenate3A_15, %get3A_12, %concatenate3A_18, %concatenate3A_26, %get3A_23, %concatenate3A_29 in 0 : vector<96x2048xf32>, vector<96x2048xf32>, vector<96x2048xf32>, vector<96x2048xf32>, vector<96x2048xf32>, vector<96x2048xf32>, vector<96x2048xf32>, vector<96x2048xf32>, vector<96x2048xf32> -> vector<864x2048xf32>
    %convert_element_type3A = arith.truncf %concatenate3A_30 : vector<864x2048xf32> to vector<864x2048xbf16>
    %get3A_31 = arith.constant 0 : index
    %get3A_32 = arith.constant 0 : index
    %get3A_33 = arith.constant 0 : index
    %get3A_34 = vector.load %arg2[%get3A_31, %get3A_32, %get3A_33] : memref<1x1x2048xi32, #tpu.memory_space<vmem>>, vector<1x1x2048xi32>
    %get3A_35 = vector.shape_cast %get3A_34 : vector<1x1x2048xi32> to vector<1x2048xi32>
    %iota3A = tpu.iota {dimensions = array<i32: 0>} : vector<32x2048xi32>
    %eq3A = vector.broadcast %get3A_35 : vector<1x2048xi32> to vector<32x2048xi32>
    %eq3A_36 = arith.cmpi eq, %eq3A, %iota3A : vector<32x2048xi32>
    %convert_element_type3A_37 = arith.extui %eq3A_36 : vector<32x2048xi1> to vector<32x2048xi32>
    %convert_element_type3A_38 = arith.sitofp %convert_element_type3A_37 : vector<32x2048xi32> to vector<32x2048xf32>
    %get3A_39 = arith.constant 0 : index
    %get3A_40 = arith.constant 0 : index
    %get3A_41 = arith.constant 0 : index
    %get3A_42 = vector.load %arg7[%get3A_39, %get3A_40, %get3A_41] : memref<1x96x32xf32, #tpu.memory_space<vmem>>, vector<1x96x32xf32>
    %get3A_43 = vector.shape_cast %get3A_42 : vector<1x96x32xf32> to vector<96x32xf32>
    %dot_general3A = arith.constant dense<0.000000e+00> : vector<96x2048xf32>
    %dot_general3A_44 = tpu.matmul %get3A_43, %convert_element_type3A_38, %dot_general3A {dimension_numbers = #tpu.dot_dimension_numbers<[1], [0], [0], [1], [0, 0, 1, 1], [], []>, transpose_lhs_hint = false} : vector<96x32xf32>, vector<32x2048xf32>, vector<96x2048xf32> -> vector<96x2048xf32>
    %slice3A_45 = vector.extract_strided_slice %convert_element_type3A {offsets = [0, 0], sizes = [864, 1024], strides = [1, 1]} : vector<864x2048xbf16> to vector<864x1024xbf16>
    %slice3A_46 = vector.extract_strided_slice %get3A_35 {offsets = [0, 0], sizes = [1, 1024], strides = [1, 1]} : vector<1x2048xi32> to vector<1x1024xi32>
    %broadcast_in_dim3A = arith.constant 0.000000e+00 : f32
    %broadcast_in_dim3A_47 = vector.broadcast %broadcast_in_dim3A : f32 to vector<96x1024xf32>
    %get3A_48 = arith.constant 0 : index
    %get3A_49 = arith.constant 0 : index
    %get3A_50 = arith.constant 0 : index
    %get3A_51 = arith.constant 0 : index
    %get3A_52 = vector.load %arg6[%get3A_48, %get3A_49, %get3A_50, %get3A_51] : memref<1x8x384x864xbf16, #tpu.memory_space<vmem>>, vector<1x1x384x864xbf16>
    %get3A_53 = vector.shape_cast %get3A_52 : vector<1x1x384x864xbf16> to vector<384x864xbf16>
    %dot_general3A_54 = arith.constant dense<0.000000e+00> : vector<384x1024xf32>
    %dot_general3A_55 = tpu.matmul %get3A_53, %slice3A_45, %dot_general3A_54 {dimension_numbers = #tpu.dot_dimension_numbers<[1], [0], [0], [1], [0, 0, 1, 1], [], []>, transpose_lhs_hint = false} : vector<384x864xbf16>, vector<864x1024xbf16>, vector<384x1024xf32> -> vector<384x1024xf32>
    %eq3A_56 = arith.constant 0 : i32
    %eq3A_57 = vector.broadcast %eq3A_56 : i32 to vector<1x1024xi32>
    %eq3A_58 = arith.cmpi eq, %slice3A_46, %eq3A_57 : vector<1x1024xi32>
    %slice3A_59 = vector.extract_strided_slice %dot_general3A_55 {offsets = [0, 0], sizes = [96, 1024], strides = [1, 1]} : vector<384x1024xf32> to vector<96x1024xf32>
    %broadcast_in_dim3A_60 = vector.shape_cast %eq3A_58 : vector<1x1024xi1> to vector<1x1024xi1>
    %broadcast_in_dim3A_61 = vector.broadcast %broadcast_in_dim3A_60 : vector<1x1024xi1> to vector<96x1024xi1>
    %select_n3A = arith.select %broadcast_in_dim3A_61, %slice3A_59, %broadcast_in_dim3A_47 : vector<96x1024xi1>, vector<96x1024xf32>
    %eq3A_62 = arith.constant 1 : i32
    %eq3A_63 = vector.broadcast %eq3A_62 : i32 to vector<1x1024xi32>
    %eq3A_64 = arith.cmpi eq, %slice3A_46, %eq3A_63 : vector<1x1024xi32>
    %slice3A_65 = vector.extract_strided_slice %dot_general3A_55 {offsets = [96, 0], sizes = [96, 1024], strides = [1, 1]} : vector<384x1024xf32> to vector<96x1024xf32>
    %broadcast_in_dim3A_66 = vector.shape_cast %eq3A_64 : vector<1x1024xi1> to vector<1x1024xi1>
    %broadcast_in_dim3A_67 = vector.broadcast %broadcast_in_dim3A_66 : vector<1x1024xi1> to vector<96x1024xi1>
    %select_n3A_68 = arith.select %broadcast_in_dim3A_67, %slice3A_65, %select_n3A : vector<96x1024xi1>, vector<96x1024xf32>
    %eq3A_69 = arith.constant 2 : i32
    %eq3A_70 = vector.broadcast %eq3A_69 : i32 to vector<1x1024xi32>
    %eq3A_71 = arith.cmpi eq, %slice3A_46, %eq3A_70 : vector<1x1024xi32>
    %slice3A_72 = vector.extract_strided_slice %dot_general3A_55 {offsets = [192, 0], sizes = [96, 1024], strides = [1, 1]} : vector<384x1024xf32> to vector<96x1024xf32>
    %broadcast_in_dim3A_73 = vector.shape_cast %eq3A_71 : vector<1x1024xi1> to vector<1x1024xi1>
    %broadcast_in_dim3A_74 = vector.broadcast %broadcast_in_dim3A_73 : vector<1x1024xi1> to vector<96x1024xi1>
    %select_n3A_75 = arith.select %broadcast_in_dim3A_74, %slice3A_72, %select_n3A_68 : vector<96x1024xi1>, vector<96x1024xf32>
    %eq3A_76 = arith.constant 3 : i32
    %eq3A_77 = vector.broadcast %eq3A_76 : i32 to vector<1x1024xi32>
    %eq3A_78 = arith.cmpi eq, %slice3A_46, %eq3A_77 : vector<1x1024xi32>
    %slice3A_79 = vector.extract_strided_slice %dot_general3A_55 {offsets = [288, 0], sizes = [96, 1024], strides = [1, 1]} : vector<384x1024xf32> to vector<96x1024xf32>
    %broadcast_in_dim3A_80 = vector.shape_cast %eq3A_78 : vector<1x1024xi1> to vector<1x1024xi1>
    %broadcast_in_dim3A_81 = vector.broadcast %broadcast_in_dim3A_80 : vector<1x1024xi1> to vector<96x1024xi1>
    %select_n3A_82 = arith.select %broadcast_in_dim3A_81, %slice3A_79, %select_n3A_75 : vector<96x1024xi1>, vector<96x1024xf32>
    %get3A_83 = arith.constant 0 : index
    %get3A_84 = arith.constant 1 : index
    %get3A_85 = arith.constant 0 : index
    %get3A_86 = arith.constant 0 : index
    %get3A_87 = vector.load %arg6[%get3A_83, %get3A_84, %get3A_85, %get3A_86] : memref<1x8x384x864xbf16, #tpu.memory_space<vmem>>, vector<1x1x384x864xbf16>
    %get3A_88 = vector.shape_cast %get3A_87 : vector<1x1x384x864xbf16> to vector<384x864xbf16>
    %dot_general3A_89 = arith.constant dense<0.000000e+00> : vector<384x1024xf32>
    %dot_general3A_90 = tpu.matmul %get3A_88, %slice3A_45, %dot_general3A_89 {dimension_numbers = #tpu.dot_dimension_numbers<[1], [0], [0], [1], [0, 0, 1, 1], [], []>, transpose_lhs_hint = false} : vector<384x864xbf16>, vector<864x1024xbf16>, vector<384x1024xf32> -> vector<384x1024xf32>
    %eq3A_91 = arith.constant 4 : i32
    %eq3A_92 = vector.broadcast %eq3A_91 : i32 to vector<1x1024xi32>
    %eq3A_93 = arith.cmpi eq, %slice3A_46, %eq3A_92 : vector<1x1024xi32>
    %slice3A_94 = vector.extract_strided_slice %dot_general3A_90 {offsets = [0, 0], sizes = [96, 1024], strides = [1, 1]} : vector<384x1024xf32> to vector<96x1024xf32>
    %broadcast_in_dim3A_95 = vector.shape_cast %eq3A_93 : vector<1x1024xi1> to vector<1x1024xi1>
    %broadcast_in_dim3A_96 = vector.broadcast %broadcast_in_dim3A_95 : vector<1x1024xi1> to vector<96x1024xi1>
    %select_n3A_97 = arith.select %broadcast_in_dim3A_96, %slice3A_94, %select_n3A_82 : vector<96x1024xi1>, vector<96x1024xf32>
    %eq3A_98 = arith.constant 5 : i32
    %eq3A_99 = vector.broadcast %eq3A_98 : i32 to vector<1x1024xi32>
    %eq3A_100 = arith.cmpi eq, %slice3A_46, %eq3A_99 : vector<1x1024xi32>
    %slice3A_101 = vector.extract_strided_slice %dot_general3A_90 {offsets = [96, 0], sizes = [96, 1024], strides = [1, 1]} : vector<384x1024xf32> to vector<96x1024xf32>
    %broadcast_in_dim3A_102 = vector.shape_cast %eq3A_100 : vector<1x1024xi1> to vector<1x1024xi1>
    %broadcast_in_dim3A_103 = vector.broadcast %broadcast_in_dim3A_102 : vector<1x1024xi1> to vector<96x1024xi1>
    %select_n3A_104 = arith.select %broadcast_in_dim3A_103, %slice3A_101, %select_n3A_97 : vector<96x1024xi1>, vector<96x1024xf32>
    %eq3A_105 = arith.constant 6 : i32
    %eq3A_106 = vector.broadcast %eq3A_105 : i32 to vector<1x1024xi32>
    %eq3A_107 = arith.cmpi eq, %slice3A_46, %eq3A_106 : vector<1x1024xi32>
    %slice3A_108 = vector.extract_strided_slice %dot_general3A_90 {offsets = [192, 0], sizes = [96, 1024], strides = [1, 1]} : vector<384x1024xf32> to vector<96x1024xf32>
    %broadcast_in_dim3A_109 = vector.shape_cast %eq3A_107 : vector<1x1024xi1> to vector<1x1024xi1>
    %broadcast_in_dim3A_110 = vector.broadcast %broadcast_in_dim3A_109 : vector<1x1024xi1> to vector<96x1024xi1>
    %select_n3A_111 = arith.select %broadcast_in_dim3A_110, %slice3A_108, %select_n3A_104 : vector<96x1024xi1>, vector<96x1024xf32>
    %eq3A_112 = arith.constant 7 : i32
    %eq3A_113 = vector.broadcast %eq3A_112 : i32 to vector<1x1024xi32>
    %eq3A_114 = arith.cmpi eq, %slice3A_46, %eq3A_113 : vector<1x1024xi32>
    %slice3A_115 = vector.extract_strided_slice %dot_general3A_90 {offsets = [288, 0], sizes = [96, 1024], strides = [1, 1]} : vector<384x1024xf32> to vector<96x1024xf32>
    %broadcast_in_dim3A_116 = vector.shape_cast %eq3A_114 : vector<1x1024xi1> to vector<1x1024xi1>
    %broadcast_in_dim3A_117 = vector.broadcast %broadcast_in_dim3A_116 : vector<1x1024xi1> to vector<96x1024xi1>
    %select_n3A_118 = arith.select %broadcast_in_dim3A_117, %slice3A_115, %select_n3A_111 : vector<96x1024xi1>, vector<96x1024xf32>
    %get3A_119 = arith.constant 0 : index
    %get3A_120 = arith.constant 2 : index
    %get3A_121 = arith.constant 0 : index
    %get3A_122 = arith.constant 0 : index
    %get3A_123 = vector.load %arg6[%get3A_119, %get3A_120, %get3A_121, %get3A_122] : memref<1x8x384x864xbf16, #tpu.memory_space<vmem>>, vector<1x1x384x864xbf16>
    %get3A_124 = vector.shape_cast %get3A_123 : vector<1x1x384x864xbf16> to vector<384x864xbf16>
    %dot_general3A_125 = arith.constant dense<0.000000e+00> : vector<384x1024xf32>
    %dot_general3A_126 = tpu.matmul %get3A_124, %slice3A_45, %dot_general3A_125 {dimension_numbers = #tpu.dot_dimension_numbers<[1], [0], [0], [1], [0, 0, 1, 1], [], []>, transpose_lhs_hint = false} : vector<384x864xbf16>, vector<864x1024xbf16>, vector<384x1024xf32> -> vector<384x1024xf32>
    %eq3A_127 = arith.constant 8 : i32
    %eq3A_128 = vector.broadcast %eq3A_127 : i32 to vector<1x1024xi32>
    %eq3A_129 = arith.cmpi eq, %slice3A_46, %eq3A_128 : vector<1x1024xi32>
    %slice3A_130 = vector.extract_strided_slice %dot_general3A_126 {offsets = [0, 0], sizes = [96, 1024], strides = [1, 1]} : vector<384x1024xf32> to vector<96x1024xf32>
    %broadcast_in_dim3A_131 = vector.shape_cast %eq3A_129 : vector<1x1024xi1> to vector<1x1024xi1>
    %broadcast_in_dim3A_132 = vector.broadcast %broadcast_in_dim3A_131 : vector<1x1024xi1> to vector<96x1024xi1>
    %select_n3A_133 = arith.select %broadcast_in_dim3A_132, %slice3A_130, %select_n3A_118 : vector<96x1024xi1>, vector<96x1024xf32>
    %eq3A_134 = arith.constant 9 : i32
    %eq3A_135 = vector.broadcast %eq3A_134 : i32 to vector<1x1024xi32>
    %eq3A_136 = arith.cmpi eq, %slice3A_46, %eq3A_135 : vector<1x1024xi32>
    %slice3A_137 = vector.extract_strided_slice %dot_general3A_126 {offsets = [96, 0], sizes = [96, 1024], strides = [1, 1]} : vector<384x1024xf32> to vector<96x1024xf32>
    %broadcast_in_dim3A_138 = vector.shape_cast %eq3A_136 : vector<1x1024xi1> to vector<1x1024xi1>
    %broadcast_in_dim3A_139 = vector.broadcast %broadcast_in_dim3A_138 : vector<1x1024xi1> to vector<96x1024xi1>
    %select_n3A_140 = arith.select %broadcast_in_dim3A_139, %slice3A_137, %select_n3A_133 : vector<96x1024xi1>, vector<96x1024xf32>
    %eq3A_141 = arith.constant 10 : i32
    %eq3A_142 = vector.broadcast %eq3A_141 : i32 to vector<1x1024xi32>
    %eq3A_143 = arith.cmpi eq, %slice3A_46, %eq3A_142 : vector<1x1024xi32>
    %slice3A_144 = vector.extract_strided_slice %dot_general3A_126 {offsets = [192, 0], sizes = [96, 1024], strides = [1, 1]} : vector<384x1024xf32> to vector<96x1024xf32>
    %broadcast_in_dim3A_145 = vector.shape_cast %eq3A_143 : vector<1x1024xi1> to vector<1x1024xi1>
    %broadcast_in_dim3A_146 = vector.broadcast %broadcast_in_dim3A_145 : vector<1x1024xi1> to vector<96x1024xi1>
    %select_n3A_147 = arith.select %broadcast_in_dim3A_146, %slice3A_144, %select_n3A_140 : vector<96x1024xi1>, vector<96x1024xf32>
    %eq3A_148 = arith.constant 11 : i32
    %eq3A_149 = vector.broadcast %eq3A_148 : i32 to vector<1x1024xi32>
    %eq3A_150 = arith.cmpi eq, %slice3A_46, %eq3A_149 : vector<1x1024xi32>
    %slice3A_151 = vector.extract_strided_slice %dot_general3A_126 {offsets = [288, 0], sizes = [96, 1024], strides = [1, 1]} : vector<384x1024xf32> to vector<96x1024xf32>
    %broadcast_in_dim3A_152 = vector.shape_cast %eq3A_150 : vector<1x1024xi1> to vector<1x1024xi1>
    %broadcast_in_dim3A_153 = vector.broadcast %broadcast_in_dim3A_152 : vector<1x1024xi1> to vector<96x1024xi1>
    %select_n3A_154 = arith.select %broadcast_in_dim3A_153, %slice3A_151, %select_n3A_147 : vector<96x1024xi1>, vector<96x1024xf32>
    %get3A_155 = arith.constant 0 : index
    %get3A_156 = arith.constant 3 : index
    %get3A_157 = arith.constant 0 : index
    %get3A_158 = arith.constant 0 : index
    %get3A_159 = vector.load %arg6[%get3A_155, %get3A_156, %get3A_157, %get3A_158] : memref<1x8x384x864xbf16, #tpu.memory_space<vmem>>, vector<1x1x384x864xbf16>
    %get3A_160 = vector.shape_cast %get3A_159 : vector<1x1x384x864xbf16> to vector<384x864xbf16>
    %dot_general3A_161 = arith.constant dense<0.000000e+00> : vector<384x1024xf32>
    %dot_general3A_162 = tpu.matmul %get3A_160, %slice3A_45, %dot_general3A_161 {dimension_numbers = #tpu.dot_dimension_numbers<[1], [0], [0], [1], [0, 0, 1, 1], [], []>, transpose_lhs_hint = false} : vector<384x864xbf16>, vector<864x1024xbf16>, vector<384x1024xf32> -> vector<384x1024xf32>
    %eq3A_163 = arith.constant 12 : i32
    %eq3A_164 = vector.broadcast %eq3A_163 : i32 to vector<1x1024xi32>
    %eq3A_165 = arith.cmpi eq, %slice3A_46, %eq3A_164 : vector<1x1024xi32>
    %slice3A_166 = vector.extract_strided_slice %dot_general3A_162 {offsets = [0, 0], sizes = [96, 1024], strides = [1, 1]} : vector<384x1024xf32> to vector<96x1024xf32>
    %broadcast_in_dim3A_167 = vector.shape_cast %eq3A_165 : vector<1x1024xi1> to vector<1x1024xi1>
    %broadcast_in_dim3A_168 = vector.broadcast %broadcast_in_dim3A_167 : vector<1x1024xi1> to vector<96x1024xi1>
    %select_n3A_169 = arith.select %broadcast_in_dim3A_168, %slice3A_166, %select_n3A_154 : vector<96x1024xi1>, vector<96x1024xf32>
    %eq3A_170 = arith.constant 13 : i32
    %eq3A_171 = vector.broadcast %eq3A_170 : i32 to vector<1x1024xi32>
    %eq3A_172 = arith.cmpi eq, %slice3A_46, %eq3A_171 : vector<1x1024xi32>
    %slice3A_173 = vector.extract_strided_slice %dot_general3A_162 {offsets = [96, 0], sizes = [96, 1024], strides = [1, 1]} : vector<384x1024xf32> to vector<96x1024xf32>
    %broadcast_in_dim3A_174 = vector.shape_cast %eq3A_172 : vector<1x1024xi1> to vector<1x1024xi1>
    %broadcast_in_dim3A_175 = vector.broadcast %broadcast_in_dim3A_174 : vector<1x1024xi1> to vector<96x1024xi1>
    %select_n3A_176 = arith.select %broadcast_in_dim3A_175, %slice3A_173, %select_n3A_169 : vector<96x1024xi1>, vector<96x1024xf32>
    %eq3A_177 = arith.constant 14 : i32
    %eq3A_178 = vector.broadcast %eq3A_177 : i32 to vector<1x1024xi32>
    %eq3A_179 = arith.cmpi eq, %slice3A_46, %eq3A_178 : vector<1x1024xi32>
    %slice3A_180 = vector.extract_strided_slice %dot_general3A_162 {offsets = [192, 0], sizes = [96, 1024], strides = [1, 1]} : vector<384x1024xf32> to vector<96x1024xf32>
    %broadcast_in_dim3A_181 = vector.shape_cast %eq3A_179 : vector<1x1024xi1> to vector<1x1024xi1>
    %broadcast_in_dim3A_182 = vector.broadcast %broadcast_in_dim3A_181 : vector<1x1024xi1> to vector<96x1024xi1>
    %select_n3A_183 = arith.select %broadcast_in_dim3A_182, %slice3A_180, %select_n3A_176 : vector<96x1024xi1>, vector<96x1024xf32>
    %eq3A_184 = arith.constant 15 : i32
    %eq3A_185 = vector.broadcast %eq3A_184 : i32 to vector<1x1024xi32>
    %eq3A_186 = arith.cmpi eq, %slice3A_46, %eq3A_185 : vector<1x1024xi32>
    %slice3A_187 = vector.extract_strided_slice %dot_general3A_162 {offsets = [288, 0], sizes = [96, 1024], strides = [1, 1]} : vector<384x1024xf32> to vector<96x1024xf32>
    %broadcast_in_dim3A_188 = vector.shape_cast %eq3A_186 : vector<1x1024xi1> to vector<1x1024xi1>
    %broadcast_in_dim3A_189 = vector.broadcast %broadcast_in_dim3A_188 : vector<1x1024xi1> to vector<96x1024xi1>
    %select_n3A_190 = arith.select %broadcast_in_dim3A_189, %slice3A_187, %select_n3A_183 : vector<96x1024xi1>, vector<96x1024xf32>
    %get3A_191 = arith.constant 0 : index
    %get3A_192 = arith.constant 4 : index
    %get3A_193 = arith.constant 0 : index
    %get3A_194 = arith.constant 0 : index
    %get3A_195 = vector.load %arg6[%get3A_191, %get3A_192, %get3A_193, %get3A_194] : memref<1x8x384x864xbf16, #tpu.memory_space<vmem>>, vector<1x1x384x864xbf16>
    %get3A_196 = vector.shape_cast %get3A_195 : vector<1x1x384x864xbf16> to vector<384x864xbf16>
    %dot_general3A_197 = arith.constant dense<0.000000e+00> : vector<384x1024xf32>
    %dot_general3A_198 = tpu.matmul %get3A_196, %slice3A_45, %dot_general3A_197 {dimension_numbers = #tpu.dot_dimension_numbers<[1], [0], [0], [1], [0, 0, 1, 1], [], []>, transpose_lhs_hint = false} : vector<384x864xbf16>, vector<864x1024xbf16>, vector<384x1024xf32> -> vector<384x1024xf32>
    %eq3A_199 = arith.constant 16 : i32
    %eq3A_200 = vector.broadcast %eq3A_199 : i32 to vector<1x1024xi32>
    %eq3A_201 = arith.cmpi eq, %slice3A_46, %eq3A_200 : vector<1x1024xi32>
    %slice3A_202 = vector.extract_strided_slice %dot_general3A_198 {offsets = [0, 0], sizes = [96, 1024], strides = [1, 1]} : vector<384x1024xf32> to vector<96x1024xf32>
    %broadcast_in_dim3A_203 = vector.shape_cast %eq3A_201 : vector<1x1024xi1> to vector<1x1024xi1>
    %broadcast_in_dim3A_204 = vector.broadcast %broadcast_in_dim3A_203 : vector<1x1024xi1> to vector<96x1024xi1>
    %select_n3A_205 = arith.select %broadcast_in_dim3A_204, %slice3A_202, %select_n3A_190 : vector<96x1024xi1>, vector<96x1024xf32>
    %eq3A_206 = arith.constant 17 : i32
    %eq3A_207 = vector.broadcast %eq3A_206 : i32 to vector<1x1024xi32>
    %eq3A_208 = arith.cmpi eq, %slice3A_46, %eq3A_207 : vector<1x1024xi32>
    %slice3A_209 = vector.extract_strided_slice %dot_general3A_198 {offsets = [96, 0], sizes = [96, 1024], strides = [1, 1]} : vector<384x1024xf32> to vector<96x1024xf32>
    %broadcast_in_dim3A_210 = vector.shape_cast %eq3A_208 : vector<1x1024xi1> to vector<1x1024xi1>
    %broadcast_in_dim3A_211 = vector.broadcast %broadcast_in_dim3A_210 : vector<1x1024xi1> to vector<96x1024xi1>
    %select_n3A_212 = arith.select %broadcast_in_dim3A_211, %slice3A_209, %select_n3A_205 : vector<96x1024xi1>, vector<96x1024xf32>
    %eq3A_213 = arith.constant 18 : i32
    %eq3A_214 = vector.broadcast %eq3A_213 : i32 to vector<1x1024xi32>
    %eq3A_215 = arith.cmpi eq, %slice3A_46, %eq3A_214 : vector<1x1024xi32>
    %slice3A_216 = vector.extract_strided_slice %dot_general3A_198 {offsets = [192, 0], sizes = [96, 1024], strides = [1, 1]} : vector<384x1024xf32> to vector<96x1024xf32>
    %broadcast_in_dim3A_217 = vector.shape_cast %eq3A_215 : vector<1x1024xi1> to vector<1x1024xi1>
    %broadcast_in_dim3A_218 = vector.broadcast %broadcast_in_dim3A_217 : vector<1x1024xi1> to vector<96x1024xi1>
    %select_n3A_219 = arith.select %broadcast_in_dim3A_218, %slice3A_216, %select_n3A_212 : vector<96x1024xi1>, vector<96x1024xf32>
    %eq3A_220 = arith.constant 19 : i32
    %eq3A_221 = vector.broadcast %eq3A_220 : i32 to vector<1x1024xi32>
    %eq3A_222 = arith.cmpi eq, %slice3A_46, %eq3A_221 : vector<1x1024xi32>
    %slice3A_223 = vector.extract_strided_slice %dot_general3A_198 {offsets = [288, 0], sizes = [96, 1024], strides = [1, 1]} : vector<384x1024xf32> to vector<96x1024xf32>
    %broadcast_in_dim3A_224 = vector.shape_cast %eq3A_222 : vector<1x1024xi1> to vector<1x1024xi1>
    %broadcast_in_dim3A_225 = vector.broadcast %broadcast_in_dim3A_224 : vector<1x1024xi1> to vector<96x1024xi1>
    %select_n3A_226 = arith.select %broadcast_in_dim3A_225, %slice3A_223, %select_n3A_219 : vector<96x1024xi1>, vector<96x1024xf32>
    %get3A_227 = arith.constant 0 : index
    %get3A_228 = arith.constant 5 : index
    %get3A_229 = arith.constant 0 : index
    %get3A_230 = arith.constant 0 : index
    %get3A_231 = vector.load %arg6[%get3A_227, %get3A_228, %get3A_229, %get3A_230] : memref<1x8x384x864xbf16, #tpu.memory_space<vmem>>, vector<1x1x384x864xbf16>
    %get3A_232 = vector.shape_cast %get3A_231 : vector<1x1x384x864xbf16> to vector<384x864xbf16>
    %dot_general3A_233 = arith.constant dense<0.000000e+00> : vector<384x1024xf32>
    %dot_general3A_234 = tpu.matmul %get3A_232, %slice3A_45, %dot_general3A_233 {dimension_numbers = #tpu.dot_dimension_numbers<[1], [0], [0], [1], [0, 0, 1, 1], [], []>, transpose_lhs_hint = false} : vector<384x864xbf16>, vector<864x1024xbf16>, vector<384x1024xf32> -> vector<384x1024xf32>
    %eq3A_235 = arith.constant 20 : i32
    %eq3A_236 = vector.broadcast %eq3A_235 : i32 to vector<1x1024xi32>
    %eq3A_237 = arith.cmpi eq, %slice3A_46, %eq3A_236 : vector<1x1024xi32>
    %slice3A_238 = vector.extract_strided_slice %dot_general3A_234 {offsets = [0, 0], sizes = [96, 1024], strides = [1, 1]} : vector<384x1024xf32> to vector<96x1024xf32>
    %broadcast_in_dim3A_239 = vector.shape_cast %eq3A_237 : vector<1x1024xi1> to vector<1x1024xi1>
    %broadcast_in_dim3A_240 = vector.broadcast %broadcast_in_dim3A_239 : vector<1x1024xi1> to vector<96x1024xi1>
    %select_n3A_241 = arith.select %broadcast_in_dim3A_240, %slice3A_238, %select_n3A_226 : vector<96x1024xi1>, vector<96x1024xf32>
    %eq3A_242 = arith.constant 21 : i32
    %eq3A_243 = vector.broadcast %eq3A_242 : i32 to vector<1x1024xi32>
    %eq3A_244 = arith.cmpi eq, %slice3A_46, %eq3A_243 : vector<1x1024xi32>
    %slice3A_245 = vector.extract_strided_slice %dot_general3A_234 {offsets = [96, 0], sizes = [96, 1024], strides = [1, 1]} : vector<384x1024xf32> to vector<96x1024xf32>
    %broadcast_in_dim3A_246 = vector.shape_cast %eq3A_244 : vector<1x1024xi1> to vector<1x1024xi1>
    %broadcast_in_dim3A_247 = vector.broadcast %broadcast_in_dim3A_246 : vector<1x1024xi1> to vector<96x1024xi1>
    %select_n3A_248 = arith.select %broadcast_in_dim3A_247, %slice3A_245, %select_n3A_241 : vector<96x1024xi1>, vector<96x1024xf32>
    %eq3A_249 = arith.constant 22 : i32
    %eq3A_250 = vector.broadcast %eq3A_249 : i32 to vector<1x1024xi32>
    %eq3A_251 = arith.cmpi eq, %slice3A_46, %eq3A_250 : vector<1x1024xi32>
    %slice3A_252 = vector.extract_strided_slice %dot_general3A_234 {offsets = [192, 0], sizes = [96, 1024], strides = [1, 1]} : vector<384x1024xf32> to vector<96x1024xf32>
    %broadcast_in_dim3A_253 = vector.shape_cast %eq3A_251 : vector<1x1024xi1> to vector<1x1024xi1>
    %broadcast_in_dim3A_254 = vector.broadcast %broadcast_in_dim3A_253 : vector<1x1024xi1> to vector<96x1024xi1>
    %select_n3A_255 = arith.select %broadcast_in_dim3A_254, %slice3A_252, %select_n3A_248 : vector<96x1024xi1>, vector<96x1024xf32>
    %eq3A_256 = arith.constant 23 : i32
    %eq3A_257 = vector.broadcast %eq3A_256 : i32 to vector<1x1024xi32>
    %eq3A_258 = arith.cmpi eq, %slice3A_46, %eq3A_257 : vector<1x1024xi32>
    %slice3A_259 = vector.extract_strided_slice %dot_general3A_234 {offsets = [288, 0], sizes = [96, 1024], strides = [1, 1]} : vector<384x1024xf32> to vector<96x1024xf32>
    %broadcast_in_dim3A_260 = vector.shape_cast %eq3A_258 : vector<1x1024xi1> to vector<1x1024xi1>
    %broadcast_in_dim3A_261 = vector.broadcast %broadcast_in_dim3A_260 : vector<1x1024xi1> to vector<96x1024xi1>
    %select_n3A_262 = arith.select %broadcast_in_dim3A_261, %slice3A_259, %select_n3A_255 : vector<96x1024xi1>, vector<96x1024xf32>
    %get3A_263 = arith.constant 0 : index
    %get3A_264 = arith.constant 6 : index
    %get3A_265 = arith.constant 0 : index
    %get3A_266 = arith.constant 0 : index
    %get3A_267 = vector.load %arg6[%get3A_263, %get3A_264, %get3A_265, %get3A_266] : memref<1x8x384x864xbf16, #tpu.memory_space<vmem>>, vector<1x1x384x864xbf16>
    %get3A_268 = vector.shape_cast %get3A_267 : vector<1x1x384x864xbf16> to vector<384x864xbf16>
    %dot_general3A_269 = arith.constant dense<0.000000e+00> : vector<384x1024xf32>
    %dot_general3A_270 = tpu.matmul %get3A_268, %slice3A_45, %dot_general3A_269 {dimension_numbers = #tpu.dot_dimension_numbers<[1], [0], [0], [1], [0, 0, 1, 1], [], []>, transpose_lhs_hint = false} : vector<384x864xbf16>, vector<864x1024xbf16>, vector<384x1024xf32> -> vector<384x1024xf32>
    %eq3A_271 = arith.constant 24 : i32
    %eq3A_272 = vector.broadcast %eq3A_271 : i32 to vector<1x1024xi32>
    %eq3A_273 = arith.cmpi eq, %slice3A_46, %eq3A_272 : vector<1x1024xi32>
    %slice3A_274 = vector.extract_strided_slice %dot_general3A_270 {offsets = [0, 0], sizes = [96, 1024], strides = [1, 1]} : vector<384x1024xf32> to vector<96x1024xf32>
    %broadcast_in_dim3A_275 = vector.shape_cast %eq3A_273 : vector<1x1024xi1> to vector<1x1024xi1>
    %broadcast_in_dim3A_276 = vector.broadcast %broadcast_in_dim3A_275 : vector<1x1024xi1> to vector<96x1024xi1>
    %select_n3A_277 = arith.select %broadcast_in_dim3A_276, %slice3A_274, %select_n3A_262 : vector<96x1024xi1>, vector<96x1024xf32>
    %eq3A_278 = arith.constant 25 : i32
    %eq3A_279 = vector.broadcast %eq3A_278 : i32 to vector<1x1024xi32>
    %eq3A_280 = arith.cmpi eq, %slice3A_46, %eq3A_279 : vector<1x1024xi32>
    %slice3A_281 = vector.extract_strided_slice %dot_general3A_270 {offsets = [96, 0], sizes = [96, 1024], strides = [1, 1]} : vector<384x1024xf32> to vector<96x1024xf32>
    %broadcast_in_dim3A_282 = vector.shape_cast %eq3A_280 : vector<1x1024xi1> to vector<1x1024xi1>
    %broadcast_in_dim3A_283 = vector.broadcast %broadcast_in_dim3A_282 : vector<1x1024xi1> to vector<96x1024xi1>
    %select_n3A_284 = arith.select %broadcast_in_dim3A_283, %slice3A_281, %select_n3A_277 : vector<96x1024xi1>, vector<96x1024xf32>
    %eq3A_285 = arith.constant 26 : i32
    %eq3A_286 = vector.broadcast %eq3A_285 : i32 to vector<1x1024xi32>
    %eq3A_287 = arith.cmpi eq, %slice3A_46, %eq3A_286 : vector<1x1024xi32>
    %slice3A_288 = vector.extract_strided_slice %dot_general3A_270 {offsets = [192, 0], sizes = [96, 1024], strides = [1, 1]} : vector<384x1024xf32> to vector<96x1024xf32>
    %broadcast_in_dim3A_289 = vector.shape_cast %eq3A_287 : vector<1x1024xi1> to vector<1x1024xi1>
    %broadcast_in_dim3A_290 = vector.broadcast %broadcast_in_dim3A_289 : vector<1x1024xi1> to vector<96x1024xi1>
    %select_n3A_291 = arith.select %broadcast_in_dim3A_290, %slice3A_288, %select_n3A_284 : vector<96x1024xi1>, vector<96x1024xf32>
    %eq3A_292 = arith.constant 27 : i32
    %eq3A_293 = vector.broadcast %eq3A_292 : i32 to vector<1x1024xi32>
    %eq3A_294 = arith.cmpi eq, %slice3A_46, %eq3A_293 : vector<1x1024xi32>
    %slice3A_295 = vector.extract_strided_slice %dot_general3A_270 {offsets = [288, 0], sizes = [96, 1024], strides = [1, 1]} : vector<384x1024xf32> to vector<96x1024xf32>
    %broadcast_in_dim3A_296 = vector.shape_cast %eq3A_294 : vector<1x1024xi1> to vector<1x1024xi1>
    %broadcast_in_dim3A_297 = vector.broadcast %broadcast_in_dim3A_296 : vector<1x1024xi1> to vector<96x1024xi1>
    %select_n3A_298 = arith.select %broadcast_in_dim3A_297, %slice3A_295, %select_n3A_291 : vector<96x1024xi1>, vector<96x1024xf32>
    %get3A_299 = arith.constant 0 : index
    %get3A_300 = arith.constant 7 : index
    %get3A_301 = arith.constant 0 : index
    %get3A_302 = arith.constant 0 : index
    %get3A_303 = vector.load %arg6[%get3A_299, %get3A_300, %get3A_301, %get3A_302] : memref<1x8x384x864xbf16, #tpu.memory_space<vmem>>, vector<1x1x384x864xbf16>
    %get3A_304 = vector.shape_cast %get3A_303 : vector<1x1x384x864xbf16> to vector<384x864xbf16>
    %dot_general3A_305 = arith.constant dense<0.000000e+00> : vector<384x1024xf32>
    %dot_general3A_306 = tpu.matmul %get3A_304, %slice3A_45, %dot_general3A_305 {dimension_numbers = #tpu.dot_dimension_numbers<[1], [0], [0], [1], [0, 0, 1, 1], [], []>, transpose_lhs_hint = false} : vector<384x864xbf16>, vector<864x1024xbf16>, vector<384x1024xf32> -> vector<384x1024xf32>
    %eq3A_307 = arith.constant 28 : i32
    %eq3A_308 = vector.broadcast %eq3A_307 : i32 to vector<1x1024xi32>
    %eq3A_309 = arith.cmpi eq, %slice3A_46, %eq3A_308 : vector<1x1024xi32>
    %slice3A_310 = vector.extract_strided_slice %dot_general3A_306 {offsets = [0, 0], sizes = [96, 1024], strides = [1, 1]} : vector<384x1024xf32> to vector<96x1024xf32>
    %broadcast_in_dim3A_311 = vector.shape_cast %eq3A_309 : vector<1x1024xi1> to vector<1x1024xi1>
    %broadcast_in_dim3A_312 = vector.broadcast %broadcast_in_dim3A_311 : vector<1x1024xi1> to vector<96x1024xi1>
    %select_n3A_313 = arith.select %broadcast_in_dim3A_312, %slice3A_310, %select_n3A_298 : vector<96x1024xi1>, vector<96x1024xf32>
    %eq3A_314 = arith.constant 29 : i32
    %eq3A_315 = vector.broadcast %eq3A_314 : i32 to vector<1x1024xi32>
    %eq3A_316 = arith.cmpi eq, %slice3A_46, %eq3A_315 : vector<1x1024xi32>
    %slice3A_317 = vector.extract_strided_slice %dot_general3A_306 {offsets = [96, 0], sizes = [96, 1024], strides = [1, 1]} : vector<384x1024xf32> to vector<96x1024xf32>
    %broadcast_in_dim3A_318 = vector.shape_cast %eq3A_316 : vector<1x1024xi1> to vector<1x1024xi1>
    %broadcast_in_dim3A_319 = vector.broadcast %broadcast_in_dim3A_318 : vector<1x1024xi1> to vector<96x1024xi1>
    %select_n3A_320 = arith.select %broadcast_in_dim3A_319, %slice3A_317, %select_n3A_313 : vector<96x1024xi1>, vector<96x1024xf32>
    %eq3A_321 = arith.constant 30 : i32
    %eq3A_322 = vector.broadcast %eq3A_321 : i32 to vector<1x1024xi32>
    %eq3A_323 = arith.cmpi eq, %slice3A_46, %eq3A_322 : vector<1x1024xi32>
    %slice3A_324 = vector.extract_strided_slice %dot_general3A_306 {offsets = [192, 0], sizes = [96, 1024], strides = [1, 1]} : vector<384x1024xf32> to vector<96x1024xf32>
    %broadcast_in_dim3A_325 = vector.shape_cast %eq3A_323 : vector<1x1024xi1> to vector<1x1024xi1>
    %broadcast_in_dim3A_326 = vector.broadcast %broadcast_in_dim3A_325 : vector<1x1024xi1> to vector<96x1024xi1>
    %select_n3A_327 = arith.select %broadcast_in_dim3A_326, %slice3A_324, %select_n3A_320 : vector<96x1024xi1>, vector<96x1024xf32>
    %eq3A_328 = arith.constant 31 : i32
    %eq3A_329 = vector.broadcast %eq3A_328 : i32 to vector<1x1024xi32>
    %eq3A_330 = arith.cmpi eq, %slice3A_46, %eq3A_329 : vector<1x1024xi32>
    %slice3A_331 = vector.extract_strided_slice %dot_general3A_306 {offsets = [288, 0], sizes = [96, 1024], strides = [1, 1]} : vector<384x1024xf32> to vector<96x1024xf32>
    %broadcast_in_dim3A_332 = vector.shape_cast %eq3A_330 : vector<1x1024xi1> to vector<1x1024xi1>
    %broadcast_in_dim3A_333 = vector.broadcast %broadcast_in_dim3A_332 : vector<1x1024xi1> to vector<96x1024xi1>
    %select_n3A_334 = arith.select %broadcast_in_dim3A_333, %slice3A_331, %select_n3A_327 : vector<96x1024xi1>, vector<96x1024xf32>
    %slice3A_335 = vector.extract_strided_slice %convert_element_type3A {offsets = [0, 1024], sizes = [864, 1024], strides = [1, 1]} : vector<864x2048xbf16> to vector<864x1024xbf16>
    %slice3A_336 = vector.extract_strided_slice %get3A_35 {offsets = [0, 1024], sizes = [1, 1024], strides = [1, 1]} : vector<1x2048xi32> to vector<1x1024xi32>
    %broadcast_in_dim3A_337 = arith.constant 0.000000e+00 : f32
    %broadcast_in_dim3A_338 = vector.broadcast %broadcast_in_dim3A_337 : f32 to vector<96x1024xf32>
    %get3A_339 = arith.constant 0 : index
    %get3A_340 = arith.constant 0 : index
    %get3A_341 = arith.constant 0 : index
    %get3A_342 = arith.constant 0 : index
    %get3A_343 = vector.load %arg6[%get3A_339, %get3A_340, %get3A_341, %get3A_342] : memref<1x8x384x864xbf16, #tpu.memory_space<vmem>>, vector<1x1x384x864xbf16>
    %get3A_344 = vector.shape_cast %get3A_343 : vector<1x1x384x864xbf16> to vector<384x864xbf16>
    %dot_general3A_345 = arith.constant dense<0.000000e+00> : vector<384x1024xf32>
    %dot_general3A_346 = tpu.matmul %get3A_344, %slice3A_335, %dot_general3A_345 {dimension_numbers = #tpu.dot_dimension_numbers<[1], [0], [0], [1], [0, 0, 1, 1], [], []>, transpose_lhs_hint = false} : vector<384x864xbf16>, vector<864x1024xbf16>, vector<384x1024xf32> -> vector<384x1024xf32>
    %eq3A_347 = arith.constant 0 : i32
    %eq3A_348 = vector.broadcast %eq3A_347 : i32 to vector<1x1024xi32>
    %eq3A_349 = arith.cmpi eq, %slice3A_336, %eq3A_348 : vector<1x1024xi32>
    %slice3A_350 = vector.extract_strided_slice %dot_general3A_346 {offsets = [0, 0], sizes = [96, 1024], strides = [1, 1]} : vector<384x1024xf32> to vector<96x1024xf32>
    %broadcast_in_dim3A_351 = vector.shape_cast %eq3A_349 : vector<1x1024xi1> to vector<1x1024xi1>
    %broadcast_in_dim3A_352 = vector.broadcast %broadcast_in_dim3A_351 : vector<1x1024xi1> to vector<96x1024xi1>
    %select_n3A_353 = arith.select %broadcast_in_dim3A_352, %slice3A_350, %broadcast_in_dim3A_338 : vector<96x1024xi1>, vector<96x1024xf32>
    %eq3A_354 = arith.constant 1 : i32
    %eq3A_355 = vector.broadcast %eq3A_354 : i32 to vector<1x1024xi32>
    %eq3A_356 = arith.cmpi eq, %slice3A_336, %eq3A_355 : vector<1x1024xi32>
    %slice3A_357 = vector.extract_strided_slice %dot_general3A_346 {offsets = [96, 0], sizes = [96, 1024], strides = [1, 1]} : vector<384x1024xf32> to vector<96x1024xf32>
    %broadcast_in_dim3A_358 = vector.shape_cast %eq3A_356 : vector<1x1024xi1> to vector<1x1024xi1>
    %broadcast_in_dim3A_359 = vector.broadcast %broadcast_in_dim3A_358 : vector<1x1024xi1> to vector<96x1024xi1>
    %select_n3A_360 = arith.select %broadcast_in_dim3A_359, %slice3A_357, %select_n3A_353 : vector<96x1024xi1>, vector<96x1024xf32>
    %eq3A_361 = arith.constant 2 : i32
    %eq3A_362 = vector.broadcast %eq3A_361 : i32 to vector<1x1024xi32>
    %eq3A_363 = arith.cmpi eq, %slice3A_336, %eq3A_362 : vector<1x1024xi32>
    %slice3A_364 = vector.extract_strided_slice %dot_general3A_346 {offsets = [192, 0], sizes = [96, 1024], strides = [1, 1]} : vector<384x1024xf32> to vector<96x1024xf32>
    %broadcast_in_dim3A_365 = vector.shape_cast %eq3A_363 : vector<1x1024xi1> to vector<1x1024xi1>
    %broadcast_in_dim3A_366 = vector.broadcast %broadcast_in_dim3A_365 : vector<1x1024xi1> to vector<96x1024xi1>
    %select_n3A_367 = arith.select %broadcast_in_dim3A_366, %slice3A_364, %select_n3A_360 : vector<96x1024xi1>, vector<96x1024xf32>
    %eq3A_368 = arith.constant 3 : i32
    %eq3A_369 = vector.broadcast %eq3A_368 : i32 to vector<1x1024xi32>
    %eq3A_370 = arith.cmpi eq, %slice3A_336, %eq3A_369 : vector<1x1024xi32>
    %slice3A_371 = vector.extract_strided_slice %dot_general3A_346 {offsets = [288, 0], sizes = [96, 1024], strides = [1, 1]} : vector<384x1024xf32> to vector<96x1024xf32>
    %broadcast_in_dim3A_372 = vector.shape_cast %eq3A_370 : vector<1x1024xi1> to vector<1x1024xi1>
    %broadcast_in_dim3A_373 = vector.broadcast %broadcast_in_dim3A_372 : vector<1x1024xi1> to vector<96x1024xi1>
    %select_n3A_374 = arith.select %broadcast_in_dim3A_373, %slice3A_371, %select_n3A_367 : vector<96x1024xi1>, vector<96x1024xf32>
    %get3A_375 = arith.constant 0 : index
    %get3A_376 = arith.constant 1 : index
    %get3A_377 = arith.constant 0 : index
    %get3A_378 = arith.constant 0 : index
    %get3A_379 = vector.load %arg6[%get3A_375, %get3A_376, %get3A_377, %get3A_378] : memref<1x8x384x864xbf16, #tpu.memory_space<vmem>>, vector<1x1x384x864xbf16>
    %get3A_380 = vector.shape_cast %get3A_379 : vector<1x1x384x864xbf16> to vector<384x864xbf16>
    %dot_general3A_381 = arith.constant dense<0.000000e+00> : vector<384x1024xf32>
    %dot_general3A_382 = tpu.matmul %get3A_380, %slice3A_335, %dot_general3A_381 {dimension_numbers = #tpu.dot_dimension_numbers<[1], [0], [0], [1], [0, 0, 1, 1], [], []>, transpose_lhs_hint = false} : vector<384x864xbf16>, vector<864x1024xbf16>, vector<384x1024xf32> -> vector<384x1024xf32>
    %eq3A_383 = arith.constant 4 : i32
    %eq3A_384 = vector.broadcast %eq3A_383 : i32 to vector<1x1024xi32>
    %eq3A_385 = arith.cmpi eq, %slice3A_336, %eq3A_384 : vector<1x1024xi32>
    %slice3A_386 = vector.extract_strided_slice %dot_general3A_382 {offsets = [0, 0], sizes = [96, 1024], strides = [1, 1]} : vector<384x1024xf32> to vector<96x1024xf32>
    %broadcast_in_dim3A_387 = vector.shape_cast %eq3A_385 : vector<1x1024xi1> to vector<1x1024xi1>
    %broadcast_in_dim3A_388 = vector.broadcast %broadcast_in_dim3A_387 : vector<1x1024xi1> to vector<96x1024xi1>
    %select_n3A_389 = arith.select %broadcast_in_dim3A_388, %slice3A_386, %select_n3A_374 : vector<96x1024xi1>, vector<96x1024xf32>
    %eq3A_390 = arith.constant 5 : i32
    %eq3A_391 = vector.broadcast %eq3A_390 : i32 to vector<1x1024xi32>
    %eq3A_392 = arith.cmpi eq, %slice3A_336, %eq3A_391 : vector<1x1024xi32>
    %slice3A_393 = vector.extract_strided_slice %dot_general3A_382 {offsets = [96, 0], sizes = [96, 1024], strides = [1, 1]} : vector<384x1024xf32> to vector<96x1024xf32>
    %broadcast_in_dim3A_394 = vector.shape_cast %eq3A_392 : vector<1x1024xi1> to vector<1x1024xi1>
    %broadcast_in_dim3A_395 = vector.broadcast %broadcast_in_dim3A_394 : vector<1x1024xi1> to vector<96x1024xi1>
    %select_n3A_396 = arith.select %broadcast_in_dim3A_395, %slice3A_393, %select_n3A_389 : vector<96x1024xi1>, vector<96x1024xf32>
    %eq3A_397 = arith.constant 6 : i32
    %eq3A_398 = vector.broadcast %eq3A_397 : i32 to vector<1x1024xi32>
    %eq3A_399 = arith.cmpi eq, %slice3A_336, %eq3A_398 : vector<1x1024xi32>
    %slice3A_400 = vector.extract_strided_slice %dot_general3A_382 {offsets = [192, 0], sizes = [96, 1024], strides = [1, 1]} : vector<384x1024xf32> to vector<96x1024xf32>
    %broadcast_in_dim3A_401 = vector.shape_cast %eq3A_399 : vector<1x1024xi1> to vector<1x1024xi1>
    %broadcast_in_dim3A_402 = vector.broadcast %broadcast_in_dim3A_401 : vector<1x1024xi1> to vector<96x1024xi1>
    %select_n3A_403 = arith.select %broadcast_in_dim3A_402, %slice3A_400, %select_n3A_396 : vector<96x1024xi1>, vector<96x1024xf32>
    %eq3A_404 = arith.constant 7 : i32
    %eq3A_405 = vector.broadcast %eq3A_404 : i32 to vector<1x1024xi32>
    %eq3A_406 = arith.cmpi eq, %slice3A_336, %eq3A_405 : vector<1x1024xi32>
    %slice3A_407 = vector.extract_strided_slice %dot_general3A_382 {offsets = [288, 0], sizes = [96, 1024], strides = [1, 1]} : vector<384x1024xf32> to vector<96x1024xf32>
    %broadcast_in_dim3A_408 = vector.shape_cast %eq3A_406 : vector<1x1024xi1> to vector<1x1024xi1>
    %broadcast_in_dim3A_409 = vector.broadcast %broadcast_in_dim3A_408 : vector<1x1024xi1> to vector<96x1024xi1>
    %select_n3A_410 = arith.select %broadcast_in_dim3A_409, %slice3A_407, %select_n3A_403 : vector<96x1024xi1>, vector<96x1024xf32>
    %get3A_411 = arith.constant 0 : index
    %get3A_412 = arith.constant 2 : index
    %get3A_413 = arith.constant 0 : index
    %get3A_414 = arith.constant 0 : index
    %get3A_415 = vector.load %arg6[%get3A_411, %get3A_412, %get3A_413, %get3A_414] : memref<1x8x384x864xbf16, #tpu.memory_space<vmem>>, vector<1x1x384x864xbf16>
    %get3A_416 = vector.shape_cast %get3A_415 : vector<1x1x384x864xbf16> to vector<384x864xbf16>
    %dot_general3A_417 = arith.constant dense<0.000000e+00> : vector<384x1024xf32>
    %dot_general3A_418 = tpu.matmul %get3A_416, %slice3A_335, %dot_general3A_417 {dimension_numbers = #tpu.dot_dimension_numbers<[1], [0], [0], [1], [0, 0, 1, 1], [], []>, transpose_lhs_hint = false} : vector<384x864xbf16>, vector<864x1024xbf16>, vector<384x1024xf32> -> vector<384x1024xf32>
    %eq3A_419 = arith.constant 8 : i32
    %eq3A_420 = vector.broadcast %eq3A_419 : i32 to vector<1x1024xi32>
    %eq3A_421 = arith.cmpi eq, %slice3A_336, %eq3A_420 : vector<1x1024xi32>
    %slice3A_422 = vector.extract_strided_slice %dot_general3A_418 {offsets = [0, 0], sizes = [96, 1024], strides = [1, 1]} : vector<384x1024xf32> to vector<96x1024xf32>
    %broadcast_in_dim3A_423 = vector.shape_cast %eq3A_421 : vector<1x1024xi1> to vector<1x1024xi1>
    %broadcast_in_dim3A_424 = vector.broadcast %broadcast_in_dim3A_423 : vector<1x1024xi1> to vector<96x1024xi1>
    %select_n3A_425 = arith.select %broadcast_in_dim3A_424, %slice3A_422, %select_n3A_410 : vector<96x1024xi1>, vector<96x1024xf32>
    %eq3A_426 = arith.constant 9 : i32
    %eq3A_427 = vector.broadcast %eq3A_426 : i32 to vector<1x1024xi32>
    %eq3A_428 = arith.cmpi eq, %slice3A_336, %eq3A_427 : vector<1x1024xi32>
    %slice3A_429 = vector.extract_strided_slice %dot_general3A_418 {offsets = [96, 0], sizes = [96, 1024], strides = [1, 1]} : vector<384x1024xf32> to vector<96x1024xf32>
    %broadcast_in_dim3A_430 = vector.shape_cast %eq3A_428 : vector<1x1024xi1> to vector<1x1024xi1>
    %broadcast_in_dim3A_431 = vector.broadcast %broadcast_in_dim3A_430 : vector<1x1024xi1> to vector<96x1024xi1>
    %select_n3A_432 = arith.select %broadcast_in_dim3A_431, %slice3A_429, %select_n3A_425 : vector<96x1024xi1>, vector<96x1024xf32>
    %eq3A_433 = arith.constant 10 : i32
    %eq3A_434 = vector.broadcast %eq3A_433 : i32 to vector<1x1024xi32>
    %eq3A_435 = arith.cmpi eq, %slice3A_336, %eq3A_434 : vector<1x1024xi32>
    %slice3A_436 = vector.extract_strided_slice %dot_general3A_418 {offsets = [192, 0], sizes = [96, 1024], strides = [1, 1]} : vector<384x1024xf32> to vector<96x1024xf32>
    %broadcast_in_dim3A_437 = vector.shape_cast %eq3A_435 : vector<1x1024xi1> to vector<1x1024xi1>
    %broadcast_in_dim3A_438 = vector.broadcast %broadcast_in_dim3A_437 : vector<1x1024xi1> to vector<96x1024xi1>
    %select_n3A_439 = arith.select %broadcast_in_dim3A_438, %slice3A_436, %select_n3A_432 : vector<96x1024xi1>, vector<96x1024xf32>
    %eq3A_440 = arith.constant 11 : i32
    %eq3A_441 = vector.broadcast %eq3A_440 : i32 to vector<1x1024xi32>
    %eq3A_442 = arith.cmpi eq, %slice3A_336, %eq3A_441 : vector<1x1024xi32>
    %slice3A_443 = vector.extract_strided_slice %dot_general3A_418 {offsets = [288, 0], sizes = [96, 1024], strides = [1, 1]} : vector<384x1024xf32> to vector<96x1024xf32>
    %broadcast_in_dim3A_444 = vector.shape_cast %eq3A_442 : vector<1x1024xi1> to vector<1x1024xi1>
    %broadcast_in_dim3A_445 = vector.broadcast %broadcast_in_dim3A_444 : vector<1x1024xi1> to vector<96x1024xi1>
    %select_n3A_446 = arith.select %broadcast_in_dim3A_445, %slice3A_443, %select_n3A_439 : vector<96x1024xi1>, vector<96x1024xf32>
    %get3A_447 = arith.constant 0 : index
    %get3A_448 = arith.constant 3 : index
    %get3A_449 = arith.constant 0 : index
    %get3A_450 = arith.constant 0 : index
    %get3A_451 = vector.load %arg6[%get3A_447, %get3A_448, %get3A_449, %get3A_450] : memref<1x8x384x864xbf16, #tpu.memory_space<vmem>>, vector<1x1x384x864xbf16>
    %get3A_452 = vector.shape_cast %get3A_451 : vector<1x1x384x864xbf16> to vector<384x864xbf16>
    %dot_general3A_453 = arith.constant dense<0.000000e+00> : vector<384x1024xf32>
    %dot_general3A_454 = tpu.matmul %get3A_452, %slice3A_335, %dot_general3A_453 {dimension_numbers = #tpu.dot_dimension_numbers<[1], [0], [0], [1], [0, 0, 1, 1], [], []>, transpose_lhs_hint = false} : vector<384x864xbf16>, vector<864x1024xbf16>, vector<384x1024xf32> -> vector<384x1024xf32>
    %eq3A_455 = arith.constant 12 : i32
    %eq3A_456 = vector.broadcast %eq3A_455 : i32 to vector<1x1024xi32>
    %eq3A_457 = arith.cmpi eq, %slice3A_336, %eq3A_456 : vector<1x1024xi32>
    %slice3A_458 = vector.extract_strided_slice %dot_general3A_454 {offsets = [0, 0], sizes = [96, 1024], strides = [1, 1]} : vector<384x1024xf32> to vector<96x1024xf32>
    %broadcast_in_dim3A_459 = vector.shape_cast %eq3A_457 : vector<1x1024xi1> to vector<1x1024xi1>
    %broadcast_in_dim3A_460 = vector.broadcast %broadcast_in_dim3A_459 : vector<1x1024xi1> to vector<96x1024xi1>
    %select_n3A_461 = arith.select %broadcast_in_dim3A_460, %slice3A_458, %select_n3A_446 : vector<96x1024xi1>, vector<96x1024xf32>
    %eq3A_462 = arith.constant 13 : i32
    %eq3A_463 = vector.broadcast %eq3A_462 : i32 to vector<1x1024xi32>
    %eq3A_464 = arith.cmpi eq, %slice3A_336, %eq3A_463 : vector<1x1024xi32>
    %slice3A_465 = vector.extract_strided_slice %dot_general3A_454 {offsets = [96, 0], sizes = [96, 1024], strides = [1, 1]} : vector<384x1024xf32> to vector<96x1024xf32>
    %broadcast_in_dim3A_466 = vector.shape_cast %eq3A_464 : vector<1x1024xi1> to vector<1x1024xi1>
    %broadcast_in_dim3A_467 = vector.broadcast %broadcast_in_dim3A_466 : vector<1x1024xi1> to vector<96x1024xi1>
    %select_n3A_468 = arith.select %broadcast_in_dim3A_467, %slice3A_465, %select_n3A_461 : vector<96x1024xi1>, vector<96x1024xf32>
    %eq3A_469 = arith.constant 14 : i32
    %eq3A_470 = vector.broadcast %eq3A_469 : i32 to vector<1x1024xi32>
    %eq3A_471 = arith.cmpi eq, %slice3A_336, %eq3A_470 : vector<1x1024xi32>
    %slice3A_472 = vector.extract_strided_slice %dot_general3A_454 {offsets = [192, 0], sizes = [96, 1024], strides = [1, 1]} : vector<384x1024xf32> to vector<96x1024xf32>
    %broadcast_in_dim3A_473 = vector.shape_cast %eq3A_471 : vector<1x1024xi1> to vector<1x1024xi1>
    %broadcast_in_dim3A_474 = vector.broadcast %broadcast_in_dim3A_473 : vector<1x1024xi1> to vector<96x1024xi1>
    %select_n3A_475 = arith.select %broadcast_in_dim3A_474, %slice3A_472, %select_n3A_468 : vector<96x1024xi1>, vector<96x1024xf32>
    %eq3A_476 = arith.constant 15 : i32
    %eq3A_477 = vector.broadcast %eq3A_476 : i32 to vector<1x1024xi32>
    %eq3A_478 = arith.cmpi eq, %slice3A_336, %eq3A_477 : vector<1x1024xi32>
    %slice3A_479 = vector.extract_strided_slice %dot_general3A_454 {offsets = [288, 0], sizes = [96, 1024], strides = [1, 1]} : vector<384x1024xf32> to vector<96x1024xf32>
    %broadcast_in_dim3A_480 = vector.shape_cast %eq3A_478 : vector<1x1024xi1> to vector<1x1024xi1>
    %broadcast_in_dim3A_481 = vector.broadcast %broadcast_in_dim3A_480 : vector<1x1024xi1> to vector<96x1024xi1>
    %select_n3A_482 = arith.select %broadcast_in_dim3A_481, %slice3A_479, %select_n3A_475 : vector<96x1024xi1>, vector<96x1024xf32>
    %get3A_483 = arith.constant 0 : index
    %get3A_484 = arith.constant 4 : index
    %get3A_485 = arith.constant 0 : index
    %get3A_486 = arith.constant 0 : index
    %get3A_487 = vector.load %arg6[%get3A_483, %get3A_484, %get3A_485, %get3A_486] : memref<1x8x384x864xbf16, #tpu.memory_space<vmem>>, vector<1x1x384x864xbf16>
    %get3A_488 = vector.shape_cast %get3A_487 : vector<1x1x384x864xbf16> to vector<384x864xbf16>
    %dot_general3A_489 = arith.constant dense<0.000000e+00> : vector<384x1024xf32>
    %dot_general3A_490 = tpu.matmul %get3A_488, %slice3A_335, %dot_general3A_489 {dimension_numbers = #tpu.dot_dimension_numbers<[1], [0], [0], [1], [0, 0, 1, 1], [], []>, transpose_lhs_hint = false} : vector<384x864xbf16>, vector<864x1024xbf16>, vector<384x1024xf32> -> vector<384x1024xf32>
    %eq3A_491 = arith.constant 16 : i32
    %eq3A_492 = vector.broadcast %eq3A_491 : i32 to vector<1x1024xi32>
    %eq3A_493 = arith.cmpi eq, %slice3A_336, %eq3A_492 : vector<1x1024xi32>
    %slice3A_494 = vector.extract_strided_slice %dot_general3A_490 {offsets = [0, 0], sizes = [96, 1024], strides = [1, 1]} : vector<384x1024xf32> to vector<96x1024xf32>
    %broadcast_in_dim3A_495 = vector.shape_cast %eq3A_493 : vector<1x1024xi1> to vector<1x1024xi1>
    %broadcast_in_dim3A_496 = vector.broadcast %broadcast_in_dim3A_495 : vector<1x1024xi1> to vector<96x1024xi1>
    %select_n3A_497 = arith.select %broadcast_in_dim3A_496, %slice3A_494, %select_n3A_482 : vector<96x1024xi1>, vector<96x1024xf32>
    %eq3A_498 = arith.constant 17 : i32
    %eq3A_499 = vector.broadcast %eq3A_498 : i32 to vector<1x1024xi32>
    %eq3A_500 = arith.cmpi eq, %slice3A_336, %eq3A_499 : vector<1x1024xi32>
    %slice3A_501 = vector.extract_strided_slice %dot_general3A_490 {offsets = [96, 0], sizes = [96, 1024], strides = [1, 1]} : vector<384x1024xf32> to vector<96x1024xf32>
    %broadcast_in_dim3A_502 = vector.shape_cast %eq3A_500 : vector<1x1024xi1> to vector<1x1024xi1>
    %broadcast_in_dim3A_503 = vector.broadcast %broadcast_in_dim3A_502 : vector<1x1024xi1> to vector<96x1024xi1>
    %select_n3A_504 = arith.select %broadcast_in_dim3A_503, %slice3A_501, %select_n3A_497 : vector<96x1024xi1>, vector<96x1024xf32>
    %eq3A_505 = arith.constant 18 : i32
    %eq3A_506 = vector.broadcast %eq3A_505 : i32 to vector<1x1024xi32>
    %eq3A_507 = arith.cmpi eq, %slice3A_336, %eq3A_506 : vector<1x1024xi32>
    %slice3A_508 = vector.extract_strided_slice %dot_general3A_490 {offsets = [192, 0], sizes = [96, 1024], strides = [1, 1]} : vector<384x1024xf32> to vector<96x1024xf32>
    %broadcast_in_dim3A_509 = vector.shape_cast %eq3A_507 : vector<1x1024xi1> to vector<1x1024xi1>
    %broadcast_in_dim3A_510 = vector.broadcast %broadcast_in_dim3A_509 : vector<1x1024xi1> to vector<96x1024xi1>
    %select_n3A_511 = arith.select %broadcast_in_dim3A_510, %slice3A_508, %select_n3A_504 : vector<96x1024xi1>, vector<96x1024xf32>
    %eq3A_512 = arith.constant 19 : i32
    %eq3A_513 = vector.broadcast %eq3A_512 : i32 to vector<1x1024xi32>
    %eq3A_514 = arith.cmpi eq, %slice3A_336, %eq3A_513 : vector<1x1024xi32>
    %slice3A_515 = vector.extract_strided_slice %dot_general3A_490 {offsets = [288, 0], sizes = [96, 1024], strides = [1, 1]} : vector<384x1024xf32> to vector<96x1024xf32>
    %broadcast_in_dim3A_516 = vector.shape_cast %eq3A_514 : vector<1x1024xi1> to vector<1x1024xi1>
    %broadcast_in_dim3A_517 = vector.broadcast %broadcast_in_dim3A_516 : vector<1x1024xi1> to vector<96x1024xi1>
    %select_n3A_518 = arith.select %broadcast_in_dim3A_517, %slice3A_515, %select_n3A_511 : vector<96x1024xi1>, vector<96x1024xf32>
    %get3A_519 = arith.constant 0 : index
    %get3A_520 = arith.constant 5 : index
    %get3A_521 = arith.constant 0 : index
    %get3A_522 = arith.constant 0 : index
    %get3A_523 = vector.load %arg6[%get3A_519, %get3A_520, %get3A_521, %get3A_522] : memref<1x8x384x864xbf16, #tpu.memory_space<vmem>>, vector<1x1x384x864xbf16>
    %get3A_524 = vector.shape_cast %get3A_523 : vector<1x1x384x864xbf16> to vector<384x864xbf16>
    %dot_general3A_525 = arith.constant dense<0.000000e+00> : vector<384x1024xf32>
    %dot_general3A_526 = tpu.matmul %get3A_524, %slice3A_335, %dot_general3A_525 {dimension_numbers = #tpu.dot_dimension_numbers<[1], [0], [0], [1], [0, 0, 1, 1], [], []>, transpose_lhs_hint = false} : vector<384x864xbf16>, vector<864x1024xbf16>, vector<384x1024xf32> -> vector<384x1024xf32>
    %eq3A_527 = arith.constant 20 : i32
    %eq3A_528 = vector.broadcast %eq3A_527 : i32 to vector<1x1024xi32>
    %eq3A_529 = arith.cmpi eq, %slice3A_336, %eq3A_528 : vector<1x1024xi32>
    %slice3A_530 = vector.extract_strided_slice %dot_general3A_526 {offsets = [0, 0], sizes = [96, 1024], strides = [1, 1]} : vector<384x1024xf32> to vector<96x1024xf32>
    %broadcast_in_dim3A_531 = vector.shape_cast %eq3A_529 : vector<1x1024xi1> to vector<1x1024xi1>
    %broadcast_in_dim3A_532 = vector.broadcast %broadcast_in_dim3A_531 : vector<1x1024xi1> to vector<96x1024xi1>
    %select_n3A_533 = arith.select %broadcast_in_dim3A_532, %slice3A_530, %select_n3A_518 : vector<96x1024xi1>, vector<96x1024xf32>
    %eq3A_534 = arith.constant 21 : i32
    %eq3A_535 = vector.broadcast %eq3A_534 : i32 to vector<1x1024xi32>
    %eq3A_536 = arith.cmpi eq, %slice3A_336, %eq3A_535 : vector<1x1024xi32>
    %slice3A_537 = vector.extract_strided_slice %dot_general3A_526 {offsets = [96, 0], sizes = [96, 1024], strides = [1, 1]} : vector<384x1024xf32> to vector<96x1024xf32>
    %broadcast_in_dim3A_538 = vector.shape_cast %eq3A_536 : vector<1x1024xi1> to vector<1x1024xi1>
    %broadcast_in_dim3A_539 = vector.broadcast %broadcast_in_dim3A_538 : vector<1x1024xi1> to vector<96x1024xi1>
    %select_n3A_540 = arith.select %broadcast_in_dim3A_539, %slice3A_537, %select_n3A_533 : vector<96x1024xi1>, vector<96x1024xf32>
    %eq3A_541 = arith.constant 22 : i32
    %eq3A_542 = vector.broadcast %eq3A_541 : i32 to vector<1x1024xi32>
    %eq3A_543 = arith.cmpi eq, %slice3A_336, %eq3A_542 : vector<1x1024xi32>
    %slice3A_544 = vector.extract_strided_slice %dot_general3A_526 {offsets = [192, 0], sizes = [96, 1024], strides = [1, 1]} : vector<384x1024xf32> to vector<96x1024xf32>
    %broadcast_in_dim3A_545 = vector.shape_cast %eq3A_543 : vector<1x1024xi1> to vector<1x1024xi1>
    %broadcast_in_dim3A_546 = vector.broadcast %broadcast_in_dim3A_545 : vector<1x1024xi1> to vector<96x1024xi1>
    %select_n3A_547 = arith.select %broadcast_in_dim3A_546, %slice3A_544, %select_n3A_540 : vector<96x1024xi1>, vector<96x1024xf32>
    %eq3A_548 = arith.constant 23 : i32
    %eq3A_549 = vector.broadcast %eq3A_548 : i32 to vector<1x1024xi32>
    %eq3A_550 = arith.cmpi eq, %slice3A_336, %eq3A_549 : vector<1x1024xi32>
    %slice3A_551 = vector.extract_strided_slice %dot_general3A_526 {offsets = [288, 0], sizes = [96, 1024], strides = [1, 1]} : vector<384x1024xf32> to vector<96x1024xf32>
    %broadcast_in_dim3A_552 = vector.shape_cast %eq3A_550 : vector<1x1024xi1> to vector<1x1024xi1>
    %broadcast_in_dim3A_553 = vector.broadcast %broadcast_in_dim3A_552 : vector<1x1024xi1> to vector<96x1024xi1>
    %select_n3A_554 = arith.select %broadcast_in_dim3A_553, %slice3A_551, %select_n3A_547 : vector<96x1024xi1>, vector<96x1024xf32>
    %get3A_555 = arith.constant 0 : index
    %get3A_556 = arith.constant 6 : index
    %get3A_557 = arith.constant 0 : index
    %get3A_558 = arith.constant 0 : index
    %get3A_559 = vector.load %arg6[%get3A_555, %get3A_556, %get3A_557, %get3A_558] : memref<1x8x384x864xbf16, #tpu.memory_space<vmem>>, vector<1x1x384x864xbf16>
    %get3A_560 = vector.shape_cast %get3A_559 : vector<1x1x384x864xbf16> to vector<384x864xbf16>
    %dot_general3A_561 = arith.constant dense<0.000000e+00> : vector<384x1024xf32>
    %dot_general3A_562 = tpu.matmul %get3A_560, %slice3A_335, %dot_general3A_561 {dimension_numbers = #tpu.dot_dimension_numbers<[1], [0], [0], [1], [0, 0, 1, 1], [], []>, transpose_lhs_hint = false} : vector<384x864xbf16>, vector<864x1024xbf16>, vector<384x1024xf32> -> vector<384x1024xf32>
    %eq3A_563 = arith.constant 24 : i32
    %eq3A_564 = vector.broadcast %eq3A_563 : i32 to vector<1x1024xi32>
    %eq3A_565 = arith.cmpi eq, %slice3A_336, %eq3A_564 : vector<1x1024xi32>
    %slice3A_566 = vector.extract_strided_slice %dot_general3A_562 {offsets = [0, 0], sizes = [96, 1024], strides = [1, 1]} : vector<384x1024xf32> to vector<96x1024xf32>
    %broadcast_in_dim3A_567 = vector.shape_cast %eq3A_565 : vector<1x1024xi1> to vector<1x1024xi1>
    %broadcast_in_dim3A_568 = vector.broadcast %broadcast_in_dim3A_567 : vector<1x1024xi1> to vector<96x1024xi1>
    %select_n3A_569 = arith.select %broadcast_in_dim3A_568, %slice3A_566, %select_n3A_554 : vector<96x1024xi1>, vector<96x1024xf32>
    %eq3A_570 = arith.constant 25 : i32
    %eq3A_571 = vector.broadcast %eq3A_570 : i32 to vector<1x1024xi32>
    %eq3A_572 = arith.cmpi eq, %slice3A_336, %eq3A_571 : vector<1x1024xi32>
    %slice3A_573 = vector.extract_strided_slice %dot_general3A_562 {offsets = [96, 0], sizes = [96, 1024], strides = [1, 1]} : vector<384x1024xf32> to vector<96x1024xf32>
    %broadcast_in_dim3A_574 = vector.shape_cast %eq3A_572 : vector<1x1024xi1> to vector<1x1024xi1>
    %broadcast_in_dim3A_575 = vector.broadcast %broadcast_in_dim3A_574 : vector<1x1024xi1> to vector<96x1024xi1>
    %select_n3A_576 = arith.select %broadcast_in_dim3A_575, %slice3A_573, %select_n3A_569 : vector<96x1024xi1>, vector<96x1024xf32>
    %eq3A_577 = arith.constant 26 : i32
    %eq3A_578 = vector.broadcast %eq3A_577 : i32 to vector<1x1024xi32>
    %eq3A_579 = arith.cmpi eq, %slice3A_336, %eq3A_578 : vector<1x1024xi32>
    %slice3A_580 = vector.extract_strided_slice %dot_general3A_562 {offsets = [192, 0], sizes = [96, 1024], strides = [1, 1]} : vector<384x1024xf32> to vector<96x1024xf32>
    %broadcast_in_dim3A_581 = vector.shape_cast %eq3A_579 : vector<1x1024xi1> to vector<1x1024xi1>
    %broadcast_in_dim3A_582 = vector.broadcast %broadcast_in_dim3A_581 : vector<1x1024xi1> to vector<96x1024xi1>
    %select_n3A_583 = arith.select %broadcast_in_dim3A_582, %slice3A_580, %select_n3A_576 : vector<96x1024xi1>, vector<96x1024xf32>
    %eq3A_584 = arith.constant 27 : i32
    %eq3A_585 = vector.broadcast %eq3A_584 : i32 to vector<1x1024xi32>
    %eq3A_586 = arith.cmpi eq, %slice3A_336, %eq3A_585 : vector<1x1024xi32>
    %slice3A_587 = vector.extract_strided_slice %dot_general3A_562 {offsets = [288, 0], sizes = [96, 1024], strides = [1, 1]} : vector<384x1024xf32> to vector<96x1024xf32>
    %broadcast_in_dim3A_588 = vector.shape_cast %eq3A_586 : vector<1x1024xi1> to vector<1x1024xi1>
    %broadcast_in_dim3A_589 = vector.broadcast %broadcast_in_dim3A_588 : vector<1x1024xi1> to vector<96x1024xi1>
    %select_n3A_590 = arith.select %broadcast_in_dim3A_589, %slice3A_587, %select_n3A_583 : vector<96x1024xi1>, vector<96x1024xf32>
    %get3A_591 = arith.constant 0 : index
    %get3A_592 = arith.constant 7 : index
    %get3A_593 = arith.constant 0 : index
    %get3A_594 = arith.constant 0 : index
    %get3A_595 = vector.load %arg6[%get3A_591, %get3A_592, %get3A_593, %get3A_594] : memref<1x8x384x864xbf16, #tpu.memory_space<vmem>>, vector<1x1x384x864xbf16>
    %get3A_596 = vector.shape_cast %get3A_595 : vector<1x1x384x864xbf16> to vector<384x864xbf16>
    %dot_general3A_597 = arith.constant dense<0.000000e+00> : vector<384x1024xf32>
    %dot_general3A_598 = tpu.matmul %get3A_596, %slice3A_335, %dot_general3A_597 {dimension_numbers = #tpu.dot_dimension_numbers<[1], [0], [0], [1], [0, 0, 1, 1], [], []>, transpose_lhs_hint = false} : vector<384x864xbf16>, vector<864x1024xbf16>, vector<384x1024xf32> -> vector<384x1024xf32>
    %eq3A_599 = arith.constant 28 : i32
    %eq3A_600 = vector.broadcast %eq3A_599 : i32 to vector<1x1024xi32>
    %eq3A_601 = arith.cmpi eq, %slice3A_336, %eq3A_600 : vector<1x1024xi32>
    %slice3A_602 = vector.extract_strided_slice %dot_general3A_598 {offsets = [0, 0], sizes = [96, 1024], strides = [1, 1]} : vector<384x1024xf32> to vector<96x1024xf32>
    %broadcast_in_dim3A_603 = vector.shape_cast %eq3A_601 : vector<1x1024xi1> to vector<1x1024xi1>
    %broadcast_in_dim3A_604 = vector.broadcast %broadcast_in_dim3A_603 : vector<1x1024xi1> to vector<96x1024xi1>
    %select_n3A_605 = arith.select %broadcast_in_dim3A_604, %slice3A_602, %select_n3A_590 : vector<96x1024xi1>, vector<96x1024xf32>
    %eq3A_606 = arith.constant 29 : i32
    %eq3A_607 = vector.broadcast %eq3A_606 : i32 to vector<1x1024xi32>
    %eq3A_608 = arith.cmpi eq, %slice3A_336, %eq3A_607 : vector<1x1024xi32>
    %slice3A_609 = vector.extract_strided_slice %dot_general3A_598 {offsets = [96, 0], sizes = [96, 1024], strides = [1, 1]} : vector<384x1024xf32> to vector<96x1024xf32>
    %broadcast_in_dim3A_610 = vector.shape_cast %eq3A_608 : vector<1x1024xi1> to vector<1x1024xi1>
    %broadcast_in_dim3A_611 = vector.broadcast %broadcast_in_dim3A_610 : vector<1x1024xi1> to vector<96x1024xi1>
    %select_n3A_612 = arith.select %broadcast_in_dim3A_611, %slice3A_609, %select_n3A_605 : vector<96x1024xi1>, vector<96x1024xf32>
    %eq3A_613 = arith.constant 30 : i32
    %eq3A_614 = vector.broadcast %eq3A_613 : i32 to vector<1x1024xi32>
    %eq3A_615 = arith.cmpi eq, %slice3A_336, %eq3A_614 : vector<1x1024xi32>
    %slice3A_616 = vector.extract_strided_slice %dot_general3A_598 {offsets = [192, 0], sizes = [96, 1024], strides = [1, 1]} : vector<384x1024xf32> to vector<96x1024xf32>
    %broadcast_in_dim3A_617 = vector.shape_cast %eq3A_615 : vector<1x1024xi1> to vector<1x1024xi1>
    %broadcast_in_dim3A_618 = vector.broadcast %broadcast_in_dim3A_617 : vector<1x1024xi1> to vector<96x1024xi1>
    %select_n3A_619 = arith.select %broadcast_in_dim3A_618, %slice3A_616, %select_n3A_612 : vector<96x1024xi1>, vector<96x1024xf32>
    %eq3A_620 = arith.constant 31 : i32
    %eq3A_621 = vector.broadcast %eq3A_620 : i32 to vector<1x1024xi32>
    %eq3A_622 = arith.cmpi eq, %slice3A_336, %eq3A_621 : vector<1x1024xi32>
    %slice3A_623 = vector.extract_strided_slice %dot_general3A_598 {offsets = [288, 0], sizes = [96, 1024], strides = [1, 1]} : vector<384x1024xf32> to vector<96x1024xf32>
    %broadcast_in_dim3A_624 = vector.shape_cast %eq3A_622 : vector<1x1024xi1> to vector<1x1024xi1>
    %broadcast_in_dim3A_625 = vector.broadcast %broadcast_in_dim3A_624 : vector<1x1024xi1> to vector<96x1024xi1>
    %select_n3A_626 = arith.select %broadcast_in_dim3A_625, %slice3A_623, %select_n3A_619 : vector<96x1024xi1>, vector<96x1024xf32>
    %concatenate3A_627 = tpu.concatenate %select_n3A_334, %select_n3A_626 in 1 : vector<96x1024xf32>, vector<96x1024xf32> -> vector<96x2048xf32>
    %add3A = arith.addf %concatenate3A_627, %dot_general3A_44 : vector<96x2048xf32>
    %swap3A = arith.constant 0 : index
    %swap3A_628 = arith.constant 0 : index
    %swap3A_629 = arith.constant 0 : index
    %swap3A_630 = vector.load %arg8[%swap3A, %swap3A_628, %swap3A_629] : memref<1x96x2048xf32, #tpu.memory_space<vmem>>, vector<1x96x2048xf32>
    %swap3A_631 = vector.shape_cast %swap3A_630 : vector<1x96x2048xf32> to vector<96x2048xf32>
    %swap3A_632 = vector.shape_cast %add3A : vector<96x2048xf32> to vector<1x96x2048xf32>
    tpu.vector_store %arg8[%swap3A, %swap3A_628, %swap3A_629], %swap3A_632 {strides = array<i32>} : memref<1x96x2048xf32, #tpu.memory_space<vmem>>, vector<1x96x2048xf32>,
    return
  }
  func.func @transform_0(%arg0: i32, %arg1: i32) -> (i32, i32, i32) {
    %c0_i32 = arith.constant 0 : i32
    %c0_i32_0 = arith.constant 0 : i32
    return %arg0, %c0_i32, %arg1 : i32, i32, i32
  }
  func.func @transform_1(%arg0: i32, %arg1: i32) -> (i32, i32, i32) {
    %c0_i32 = arith.constant 0 : i32
    %c0_i32_0 = arith.constant 0 : i32
    return %arg0, %c0_i32, %arg1 : i32, i32, i32
  }
  func.func @transform_2(%arg0: i32, %arg1: i32) -> (i32, i32, i32) {
    %c0_i32 = arith.constant 0 : i32
    %c0_i32_0 = arith.constant 0 : i32
    return %arg0, %c0_i32, %arg1 : i32, i32, i32
  }
  func.func @transform_3(%arg0: i32, %arg1: i32) -> (i32, i32, i32) {
    %c0_i32 = arith.constant 0 : i32
    %c0_i32_0 = arith.constant 0 : i32
    return %arg0, %c0_i32, %arg1 : i32, i32, i32
  }
  func.func @transform_4(%arg0: i32, %arg1: i32) -> (i32, i32, i32, i32) {
    %c0_i32 = arith.constant 0 : i32
    %c0_i32_0 = arith.constant 0 : i32
    %c0_i32_1 = arith.constant 0 : i32
    %c0_i32_2 = arith.constant 0 : i32
    return %arg0, %c0_i32, %c0_i32_0, %c0_i32_1 : i32, i32, i32, i32
  }
  func.func @transform_5(%arg0: i32, %arg1: i32) -> (i32, i32, i32) {
    %c0_i32 = arith.constant 0 : i32
    %c0_i32_0 = arith.constant 0 : i32
    %c0_i32_1 = arith.constant 0 : i32
    return %arg0, %c0_i32, %c0_i32_0 : i32, i32, i32
  }
  func.func @transform_6(%arg0: i32, %arg1: i32) -> (i32, i32, i32) {
    %c0_i32 = arith.constant 0 : i32
    %c0_i32_0 = arith.constant 0 : i32
    return %arg0, %c0_i32, %arg1 : i32, i32, i32
  }
}

</mosaic_0001>

<sc_bundles>
// kernel: sparse-core-data-format-call.cloned.1.call-start
scs
called_computation_lowered:
.L_overlay_start_0:
0x0: {  	s2 =	sld [smem:$0x3FD9]  }
0x1: {  	s3 =	sld [smem:$0x3FFE];
	_ =	sdelay $0x1  }
0x2: {  	s1 =	srdreg.scid  }
0x3: {  	s0 =	sand.u32 $0x1, s1  }
0x4: {  	s15 =	sshll.u32 s0, $0xA;
	s2 =	sadd.s32 s3, s2  }
0x5: {  	s2 =	sadd.s32 s2, s15  }
0x6: {  	[smem:$0x3FBA] =	sst s2  }
0x7: {  	_ = 	snop  }
0x8: {  	s2 =	sld [smem:$0x3FD0];
	_ =	sdelay $0x2  }
0x9: {  	s16 =	simm.s32 $0xA;
	s4 =	simm.s32 $0x10  }
0xa: {  	[smem:s4], [sflag:s16] =	dma.local [hbm:s2], $0x1  }
0xb: {  	_ =	swait.eq [sflag:s16], $0x1  }
0xc: {  	[sflag:s16] =	ssyncset.done $0x0  }
0xd: {  	[sflag:s16] =	ssyncadd.s32 $0xFFFFFFFF  }
0xe: {  	s17 =	sld [smem:$0x10];
	(tm) =	ssettm $0x1  }
0xf: {  	s18 =	sld [smem:$0x3FFB];
	_ =	sdelay $0x3  }
0x10: {  	_ =	strace s18  }
0x11: {  	s3 =	sld [smem:$0x3FFC];
	_ =	sdelay $0x3  }
0x12: {  	_ =	strace s3  }
0x13: {  	s3 =	sld [smem:$0x3FFD];
	_ =	sdelay $0x3  }
0x14: {  	_ =	strace s3  }
0x15: {  	_ =	strace $0x8FFFFFFF  }
0x16: {  	s19 =	sld [smem:$0x3FDB];
	_ =	sdelay $0x1  }
0x17: {  	s20 =	simm.s32 $_scs_section_size  }
0x18: {  	s5 =	simm.s32 $_size__tile_overlayer_lowered;
	s6 =	simm.s32 $_tile_overlayer_lowered  }
0x19: {  	s23 =	simm.s32 $0x1BFF;
	s22 =	sshll.u32 s6, $0x1;
	s3 =	sadd.s32 s20, s19  }
0x1a: {  	s7 =	simm.s32 $0x0;
	s21 =	sshll.u32 s5, $0x1;
	s5 =	sadd.s32 s22, s3  }
0x1b: {  	[timem:s7], [sflag:s23] =	dma.local [hbm:s5], s21  }
0x1c: {  	_ =	swait.ge [sflag:s23], s21  }
0x1d: {  	s4 =	ssub.s32 $0x0, s21;
	[sflag:s23] =	ssyncset.done $0x0  }
0x1e: {  	[sflag:s23] =	ssyncadd.s32 s4;
	_ =	sdelay $0x1  }
0x1f: {  	s24 =	simm.s32 $0x1B8B  }
0x20: {  	_ =	swait.ge [sflag:s24], $0x1  }
0x21: {  	[sflag:s24] =	ssyncset.done $0x0  }
0x22: {  	s26 =	simm.s32 $0x1B8E;
	s25 =	sld [smem:$0x3FFE];
	[sflag:s24] =	ssyncadd.s32 $0xFFFFFFFF  }
0x23: {  	s27 =	simm.s32 $execute0_lowered;
	[smem:$0x3FD2] =	sst s26  }
0x24: {  	s5 =	sshll.u32 s27, $0x1;
	_ =	strace $0x80000046;
	[dreg:$0x1] =	wrdreg $0xFFFFFFFF  }
0x25: {  	s28 =	simm.s32 $_size_execute0_lowered;
	s3 =	sadd.s32 s3, s5;
	[dreg:$0x0] =	wrdreg $0x0  }
0x26: {  	s5 =	sshll.u32 s28, $0x1;
	[dreg:$0x2] =	wrdreg s3  }
0x27: {  	[dreg:$0x3] =	wrdreg s5  }
0x28: {  	[dreg:$0x4] =	wrdreg $0xC0  }
0x29: {  	_ =	task [dreg:s7], $0x5FFFF  }
0x2a: {  	[dreg:$0x1] =	wrdreg $0xFFFFFFFF  }
0x2b: {  	[dreg:$0x0] =	wrdreg $0x60  }
0x2c: {  	[dreg:$0x2] =	wrdreg s25  }
0x2d: {  	[dreg:$0x3] =	wrdreg s17  }
0x2e: {  	[dreg:$0x4] =	wrdreg $0x9  }
0x2f: {  	_ =	task.clear_ibuf [dreg:s7], $0x5FFFF;
	_ =	strace $0x90000046  }
0x30: {  	s29 =	simm.s32 $0x9;
	_ =	strace $0x80000048  }
0x31: {  	_ =	swait.ge [sflag:s29], $0x1  }
0x32: {  	[sflag:s29] =	ssyncadd.s32 $0xFFFFFFFF  }
0x33: {  	_ =	strace $0x90000048  }
0x34: {  	_ =	sfence  }
0x35: {  	s30 =	sld [smem:$0x0];
	_ =	sdelay $0x2  }
0x36: {  	s31 =	sshll.u32 s1, $0xD;
	s1 =	sshrl.u32 s1, $0x2  }
0x37: {  	s3 =	sand.u32 $0x4000, s31;
	s1 =	sadd.s32 s1, s30  }
0x38: {  	s0 =	sor.u32 s3, s0;
	s1 =	sshll.u32 s1, $0x11  }
0x39: {  	s0 =	sor.u32 s1, s0  }
0x3a: {  	s0 =	sadd.s32 $0x8F2B, s0  }
0x3b: {  	[sflag:s0] =	ssyncadd.remote.s32 $0x1  }
0x3c: {  	_ =	sfence.sel $0xFFFF  }
0x3d: {  	[dreg:$0x0] =	wrdreg $0xFFFFFFFF;
	(pc) =	sbr.abs _section_cstart, $3  }
0x3e: {  	[dreg:$0x1] =	wrdreg $0xFFFFFFFF  }
0x3f: {  	_ =	task.clear_ibuf [dreg:s7], $0x2FFFF;
	_ =	strace $0x9FFFFFFF  }
0x40: {  	(tm) =	ssettm $0x7FFFFFFF  }
0x41: {  	_ =	shalt  }
tec
execute0_lowered:
.L_overlay_start_1:
0x0: {  	(tag) =	ssettag $0x1  }
0x1: {  	s0 =	srdreg.scid;
	s6 =	rddreg [dreg:$0x0]  }
0x2: {  	s3 =	rddreg [dreg:$0x1];
	s1 =	sshll.u32 s0, $0x4  }
0x3: {  	s4 =	simm.s32 $0x1;
	s0 =	stileid.u32;
	s1 =	sand.u32 $0x10, s1  }
0x4: {  	s31 =	simm.s32 $0x2;
	s12 =	simm.s32 $0x0;
	s5 =	sor.u32 s0, s1  }
0x5: {  	s9 =	simm.s32 $0xE000;
	s13 =	simm.s32 $0x0;
	s2 =	sshll.u32 s5, $0x3  }
0x6: {  	s10 =	simm.s32 $0x0;
	s11 =	simm.s32 $0x0;
	s7 =	ssub.s32 $0xE0, s2  }
0x7: {  	s19 =	simm.s32 $0x0;
	s1 =	rddreg [dreg:$0x2];
	p0 =	sgt.s32 s7, $0x0  }
.Ltmp0:
0x8: {  	_ =	strace $0x80000047;
	s7 =	simm.s32 @!p0 $0x0;
	(pc) =	sbr.rel .LBB1_1-.Ltmp0, $4  }
0x9: {  	s8 =	sshll.u32 s5, $0xB;
	[sflag:s4] =	ssyncpa.u1 $0x0;
	s30 =	sand.u32 $0xF8, s7  }
0xa: {  	s5 =	simm.s32 $0x0;
	s6 =	sadd.s32 s8, s6;
	p0 =	seq.s32 s30, $0x0  }
0xb: {  	[sflag:s31] =	ssyncpa.u1 $0x0;
	s8 =	simm.s32 $0x800;
	s5 =	simm.s32 @!p0 $0x18  }
0xc: {  	s6 =	sadd.s32 $0x3F0E00, s6;
	p0 =	por $0x0, $0x0;
	s7 =	sor.u32 $0x1, s5  }
.LBB1_7:
0xd: {  	s14 =	sadd.s32 $0x1, s10  }
0xe: {  	p2 =	sgt.s32 s14, $0x17  }
0xf: {  	s14 =	simm.s32 @p2 $0x0;
	p2 =	sne.s32 s11, s7  }
.Ltmp1:
0x10: {  	p1 =	slt.u32 s11, $0x2;
	(pc) =	sbr.rel @!p2 .LBB1_8-.Ltmp1, $4  }
0x11: {  	s12 =	simm.s32 @!p1 $0x2  }
0x12: {  	s15 =	sadd.s32 $0x1, s11;
	s13 =	smov.u32 s10;
	_ =	swait.ge @!p1 [sflag:s12], $0x4000  }
0x13: {  	p0 =	por !p0, !p0;
	s11 =	smov.u32 s15;
	[sflag:s12] =	ssyncset.done @!p1 $0x0  }
0x14: {  	s10 =	smov.u32 s14;
	[sflag:s12] =	ssyncadd.s32 @!p1 $0xFFFFC000;
	s12 =	smov.u32 s2  }
.LBB1_1:
0x15: {  	p1 =	sge.u32 s11, s5  }
0x16: {  	s14 =	sxor.u32 @!p1 $0xFFFFFFFF, s11;
	s15 =	smul.u32 @!p1 $0xE000, s10  }
0x17: {  	s31 =	sadd.s32 $0xFFFFFFFF, s11;
	s14 =	sshll.u32 @!p1 s14, $0xE  }
0x18: {  	s16 =	simm.s32 @!p1 $0x0;
	s14 =	sand.u32 @!p1 $0x4000, s14;
	s15 =	sadd.s32 @!p1 s15, s6  }
0x19: {  	[tilespmem:s14], [sflag:$0x1] =	stream.linear.gather @!p1 [hbm4b:s15+s16], $0x4000, $0x38;
	[tilespmem:$0x10000] =	vst v63  }
0x1a: {  	p1 =	sge.u32 s31, s5  }
.Ltmp2:
0x1b: {  	_ = 	snop;
	(pc) =	sbr.rel @p1 .LBB1_7-.Ltmp2, $1  }
0x1c: {  	_ =	sdelay $0x3  }
0x1d: {  	s14 =	simm.s32 $0x1  }
0x1e: {  	_ =	swait.ge [sflag:s4], $0x4000;
	s31 =	sshll.u32 s11, $0xE;
	p1 =	por $0x0, $0x0  }
0x1f: {  	s20 =	simm.s32 $0x0;
	s21 =	simm.s32 $0x0;
	s14 =	simm.s32 @!p0 $0x0  }
0x20: {  	[sflag:s4] =	ssyncset.done $0x0;
	s17 =	sand.u32 $0x4000, s31;
	s14 =	sshll.u32 s14, $0x10  }
0x21: {  	[sflag:s4] =	ssyncadd.s32 $0xFFFFC000;
	s18 =	sshrl.u32 s14, $0x2;
	s14 =	sor.u32 $0x8000, s17  }
0x22: {  	s15 =	sor.u32 $0x40, s18;
	s16 =	sor.u32 $0x8410, s18;
	s18 =	sadd.s32 $0x8400, s18  }
.LBB1_3:
0x23: {  	v1 =	vld [tilespmem:s15+$0xFFFFFFD0]  }
0x24: {  	v2 =	vld [tilespmem:s15+$0x430]  }
0x25: {  	s22 =	sshll.u32 s21, $0xB;
	v4 =	vld [tilespmem:s15+$0xFFFFFFE0]  }
0x26: {  	v7 =	vld [tilespmem:s15+$0xFFFFFFF0];
	v0 =	vmov s22  }
0x27: {  	v8 =	vld [tilespmem:s15+$0x0]  }
0x28: {  	s30 =	sand.u32 $0x300, s19;
	v9 =	vld [tilespmem:s15+$0x10]  }
0x29: {  	s23 =	sand.u32 $0x80, s19;
	v10 =	vld [tilespmem:s15+$0x20];
	s22 =	sadd.s32 s30, s17  }
0x2a: {  	v11 =	vld [tilespmem:s15+$0x30];
	s22 =	sadd.s32 s23, s22;
	s23 =	simm.s32 $0x1;
	[tilespmem:s16+$0x60] =	vst v2  }
0x2b: {  	s31 =	sshll.u32 s20, $0x2;
	s23 =	simm.s32 @!p1 $0x0;
	[tilespmem:s16+$0xFFFFFC00] =	vst v1;
	v3 =	vld.idx.msk [tilespmem:v0+s22+$0x400 ss:$0x1], $0xffff  }
0x2c: {  	v6 =	vld [tilespmem:s15+$0x3D0];
	s23 =	sshll.u32 s23, $0x9;
	[tilespmem:s16+$0xFFFFFC10] =	vst v4;
	s22 =	sand.u32 $0xFFFFFC00, s31  }
0x2d: {  	v5 =	vld [tilespmem:s15+$0x3E0];
	[tilespmem:s16+$0xFFFFFC20] =	vst v7;
	s22 =	sor.u32 s23, s22  }
0x2e: {  	[tilespmem:s16+$0xFFFFFC30] =	vst v8;
	v4 =	vld [tilespmem:s15+$0x400];
	s22 =	sshrl.u32 s22, $0x2  }
0x2f: {  	[tilespmem:s16+$0xFFFFFC40] =	vst v9;
	v1 =	vld [tilespmem:s15+$0x410];
	s22 =	sadd.s32 s22, s18  }
0x30: {  	[tilespmem:s22+$0x0] =	vst v3;
	v3 =	vld [tilespmem:s15+$0x3F0]  }
0x31: {  	s26 =	simm.s32 $0x80;
	s25 =	simm.s32 $0x100;
	[tilespmem:s16+$0xFFFFFC50] =	vst v10;
	v2 =	vld [tilespmem:s15+$0x420]  }
0x32: {  	s24 =	smov.u32 s16;
	s27 =	sand.u32 $0x300, s26;
	v7 =	vld [tilespmem:s15+$0xFFFFFFC0];
	[tilespmem:s16+$0xFFFFFC60] =	vst v11;
	s23 =	sadd.s32 $0x80, s15  }
.LBB1_4:
0x33: {  	p2 =	sne.s32 s25, $0x380;
	v8 =	vld [tilespmem:s23+$0xFFFFFFD0];
	s26 =	sand.u32 $0x80, s26;
	s27 =	sadd.s32 s27, s17;
	[tilespmem:s24+$0x0] =	vst v6  }
0x34: {  	s27 =	sadd.s32 s26, s27;
	v6 =	vld [tilespmem:s23+$0x430];
	[tilespmem:s24+$0x10] =	vst v5;
	s26 =	smov.u32 s25  }
0x35: {  	v5 =	vld.idx.msk [tilespmem:v0+s27+$0x400 ss:$0x1], $0xffff;
	[tilespmem:s24+$0x20] =	vst v3  }
0x36: {  	v3 =	vld [tilespmem:s23+$0xFFFFFFE0];
	[tilespmem:s24+$0x30] =	vst v4  }
0x37: {  	v4 =	vld [tilespmem:s23+$0xFFFFFFF0];
	[tilespmem:s24+$0xFFFFFBF0] =	vst v7  }
0x38: {  	v7 =	vld [tilespmem:s23+$0x0];
	[tilespmem:s24+$0x40] =	vst v1  }
0x39: {  	v1 =	vld [tilespmem:s23+$0x10];
	[tilespmem:s24+$0x50] =	vst v2;
	s24 =	sadd.s32 $0x800, s24  }
0x3a: {  	s22 =	sadd.s32 $0x800, s22;
	v2 =	vld [tilespmem:s23+$0x20];
	[tilespmem:s24+$0x60] =	vst v6  }
0x3b: {  	v9 =	vld [tilespmem:s23+$0x30];
	[tilespmem:s22+$0x0] =	vst v5  }
0x3c: {  	[tilespmem:s24+$0xFFFFFC00] =	vst v8;
	v6 =	vld [tilespmem:s23+$0x3D0]  }
0x3d: {  	[tilespmem:s24+$0xFFFFFC10] =	vst v3;
	v5 =	vld [tilespmem:s23+$0x3E0]  }
.Ltmp3:
0x3e: {  	[tilespmem:s24+$0xFFFFFC20] =	vst v4;
	v3 =	vld [tilespmem:s23+$0x3F0];
	(pc) =	sbr.rel @p2 .LBB1_4-.Ltmp3, $4  }
0x3f: {  	[tilespmem:s24+$0xFFFFFC30] =	vst v7;
	v4 =	vld [tilespmem:s23+$0x400]  }
0x40: {  	[tilespmem:s24+$0xFFFFFC40] =	vst v1;
	v1 =	vld [tilespmem:s23+$0x410]  }
0x41: {  	[tilespmem:s24+$0xFFFFFC50] =	vst v2;
	v2 =	vld [tilespmem:s23+$0x420]  }
0x42: {  	s25 =	sadd.s32 $0x80, s25;
	s27 =	sand.u32 $0x300, s26;
	v7 =	vld [tilespmem:s23+$0xFFFFFFC0];
	[tilespmem:s24+$0xFFFFFC60] =	vst v9;
	s23 =	sadd.s32 $0x80, s23  }
0x43: {  	[tilespmem:s24+$0x0] =	vst v6  }
0x44: {  	[tilespmem:s24+$0x10] =	vst v5  }
0x45: {  	v49 =	vld [tilespmem:s23+$0x430];
	[tilespmem:s24+$0x20] =	vst v3  }
0x46: {  	v50 =	vld [tilespmem:s23+$0xFFFFFFD0];
	[tilespmem:s24+$0x30] =	vst v4  }
0x47: {  	v51 =	vld [tilespmem:s23+$0xFFFFFFE0];
	[tilespmem:s24+$0x40] =	vst v1  }
0x48: {  	v52 =	vld [tilespmem:s23+$0xFFFFFFF0];
	[tilespmem:s24+$0x50] =	vst v2  }
0x49: {  	s31 =	sadd.s32 $0x800, s24;
	v53 =	vld [tilespmem:s23+$0x0];
	[tilespmem:s24+$0xFFFFFBF0] =	vst v7  }
0x4a: {  	v54 =	vld [tilespmem:s23+$0x10];
	[tilespmem:s31+$0x60] =	vst v49  }
0x4b: {  	v55 =	vld [tilespmem:s23+$0x20];
	[tilespmem:s31+$0xFFFFFC00] =	vst v50  }
0x4c: {  	v56 =	vld [tilespmem:s23+$0x30];
	[tilespmem:s31+$0xFFFFFC10] =	vst v51  }
0x4d: {  	v57 =	vld [tilespmem:s23+$0x3D0];
	[tilespmem:s31+$0xFFFFFC20] =	vst v52  }
0x4e: {  	v58 =	vld [tilespmem:s23+$0x3E0];
	[tilespmem:s31+$0xFFFFFC30] =	vst v53  }
0x4f: {  	v59 =	vld [tilespmem:s23+$0x3F0];
	[tilespmem:s31+$0xFFFFFC40] =	vst v54  }
0x50: {  	v60 =	vld [tilespmem:s23+$0x400];
	[tilespmem:s31+$0xFFFFFC50] =	vst v55  }
0x51: {  	v61 =	vld [tilespmem:s23+$0xFFFFFFC0];
	[tilespmem:s31+$0xFFFFFC60] =	vst v56  }
0x52: {  	s25 =	sand.u32 $0x80, s26;
	s30 =	sadd.s32 s27, s17;
	v62 =	vld [tilespmem:s23+$0x410];
	[tilespmem:s31+$0x0] =	vst v57  }
0x53: {  	v63 =	vld [tilespmem:s23+$0x420];
	s21 =	sadd.s32 $0x1, s21;
	s25 =	sadd.s32 s25, s30;
	[tilespmem:s31+$0x10] =	vst v58  }
0x54: {  	p2 =	sne.s32 s21, $0x8;
	v0 =	vld.idx.msk [tilespmem:v0+s25+$0x400 ss:$0x1], $0xffff;
	[tilespmem:s31+$0x20] =	vst v59  }
.Ltmp4:
0x55: {  	[tilespmem:s31+$0x30] =	vst v60;
	(pc) =	sbr.rel @p2 .LBB1_3-.Ltmp4, $4  }
0x56: {  	[tilespmem:s31+$0xFFFFFBF0] =	vst v61  }
0x57: {  	[tilespmem:s31+$0x40] =	vst v62  }
0x58: {  	s22 =	sadd.s32 $0x800, s22;
	s15 =	sadd.s32 $0x800, s15;
	[tilespmem:s31+$0x50] =	vst v63  }
0x59: {  	s20 =	sadd.s32 $0x80, s20;
	p1 =	por !p1, !p1;
	s16 =	sadd.s32 $0x80, s16;
	[tilespmem:s22+$0x0] =	vst v0  }
0x5a: {  	s15 =	sshrl.u32 s12, $0x5  }
0x5b: {  	s15 =	smulhi.u32 $0x24924925, s15  }
0x5c: {  	s13 =	smul.u32 $0xE000, s13  }
0x5d: {  	s15 =	smul.u32 $0xE0, s15  }
.Ltmp5:
0x5e: {  	_ = 	snop;
	(pc) =	sbr.rel .LBB1_7-.Ltmp5, $4  }
0x5f: {  	s31 =	ssub.s32 s12, s15  }
0x60: {  	s13 =	sadd.s32 s3, s13;
	s12 =	sshll.u32 s31, $0x5  }
0x61: {  	s12 =	sadd.s32 s12, s13  }
0x62: {  	[hbm4b:s12+s8] =	stream.strided.scatter [tilespmem:s14], [sflag:$0x2], $0x4000, s9, s8, $0x38;
	[tilespmem:$0x10000] =	vst v63  }
.LBB1_8:
0x63: {  	_ =	sfence.sel $0x180000  }
0x64: {  	s2 =	simm.s32 $0x1;
	[bflag:$0x0] =	sbarrier.arrive $0xFFFF  }
0x65: {  	s31 =	simm.s32 $0x2;
	[sflag:s2] =	ssyncpa.u1 $0x1  }
0x66: {  	[sflag:s31] =	ssyncpa.u1 $0x1  }
0x67: {  	p0 =	sne.s32 s0, $0x0;
	_ =	strace $0x90000047  }
0x68: {  	s0 =	sadd.s32 @!p0 $0x100000, s1;
	[bflag:$0x2] =	sbarrier.arrive $0xFFFF  }
0x69: {  	[sflag:s0] =	ssyncadd.tile.s32 @!p0 $0x1;
	_ =	shalt  }
.Lfunc_end1:
_tile_overlayer_lowered:
.L_overlay_start_2:
0x6a: {  	(tag) =	ssettag $0x2  }
0x6b: {  	s0 =	rddreg [dreg:$0x0];
	s2 =	stileid.u32  }
0x6c: {  	s1 =	rddreg [dreg:$0x1];
	p0 =	sne.s32 s2, $0x0  }
0x6d: {  	s3 =	rddreg [dreg:$0x2];
	[bflag:$0x3] =	sbarrier.arrive $0xFFFF;
	s2 =	simm.s32 @!p0 $0x1C01  }
0x6e: {  	[timem:s3], [sflag:s2] =	dma.local @!p0 [hbm:s0], s1  }
0x6f: {  	s0 =	simm.s32 @!p0 $0x1  }
0x70: {  	_ =	swait.ge @!p0 [sflag:s0], s1  }
0x71: {  	s1 =	ssub.s32 @!p0 $0x0, s1;
	[sflag:s0] =	ssyncset.done @!p0 $0x0  }
0x72: {  	[sflag:s0] =	ssyncadd.s32 @!p0 s1  }
0x73: {  	[bflag:$0x3] =	sbarrier.arrive $0xFFFF  }
0x74: {  	_ =	shalt  }

</sc_bundles>
